<compile_context>
chip_gen: v7x
topology: tpu7x:2x2x1
jax: 0.10.2.dev20260603
libtpu: 0.0.44.dev20260713+nightly
codegen_flags: <defaults>
</compile_context>

<pallas_src>
import functools

import jax
import jax.numpy as jnp
from jax import lax
from jax.experimental import pallas as pl
from jax.experimental.pallas import tpu as pltpu
from jax.experimental.pallas import tpu_sc as plsc

H = 224
W = 224
HW = H * W
C = 96
KH = 3
KW = 3
NTAP = KH * KW

NC = 2
NS = 16
NW = NC * NS
LANES = 16

PX_PER_TILE = HW // NW
G = 112
WINDOWS = PX_PER_TILE // G


def _transpose_body(x_ref, o_ref):
    o_ref[...] = x_ref[...].T


def _make_table(x2):
    blk = 512
    return pl.pallas_call(
        _transpose_body,
        grid=(HW // blk,),
        in_specs=[pl.BlockSpec((C, blk), lambda i: (0, i))],
        out_specs=pl.BlockSpec((blk, C), lambda i: (i, 0)),
        out_shape=jax.ShapeDtypeStruct((HW, C), jnp.float32),
    )(x2)


def _sc_body(xT, off2, ymap, xmap, out,
             offy_v, offx_v, ym_v, xm_v,
             i0, i1, i2, i3, w0, w1, w2, w3,
             g0, g1, g2, g3, out_v, sem):
    idx_refs = (i0, i1, i2, i3)
    w_refs = (w0, w1, w2, w3)
    g_refs = (g0, g1, g2, g3)
    cid = lax.axis_index("c")
    sid = lax.axis_index("s")
    wid = sid * NC + cid
    tile_base = wid * PX_PER_TILE
    iota16 = lax.iota(jnp.int32, LANES)

    @pl.loop(0, KH)
    def _(ti):
        @pl.loop(0, KW)
        def _(tj):
            t = ti * KW + tj
            dyf = (ti - 1).astype(jnp.float32)
            dxf = (tj - 1).astype(jnp.float32)

            @pl.loop(0, WINDOWS)
            def _(wi):
                p0 = tile_base + wi * G
                pltpu.sync_copy(off2.at[2 * t, pl.ds(p0, G)], offy_v)
                pltpu.sync_copy(off2.at[2 * t + 1, pl.ds(p0, G)], offx_v)
                pltpu.sync_copy(ymap.at[pl.ds(p0, G)], ym_v)
                pltpu.sync_copy(xmap.at[pl.ds(p0, G)], xm_v)

                @pl.loop(0, G // LANES)
                def _(ci):
                    s = ci * LANES
                    sl = pl.ds(s, LANES)
                    y = ym_v[sl] + offy_v[sl] + dyf
                    x = xm_v[sl] + offx_v[sl] + dxf
                    yt = y.astype(jnp.int32)
                    ytf = yt.astype(jnp.float32)
                    y0f = jnp.where(ytf > y, ytf - 1.0, ytf)
                    y0 = y0f.astype(jnp.int32)
                    xt = x.astype(jnp.int32)
                    xtf = xt.astype(jnp.float32)
                    x0f = jnp.where(xtf > x, xtf - 1.0, xtf)
                    x0 = x0f.astype(jnp.int32)
                    fy1 = y - y0f
                    fy0 = 1.0 - fy1
                    fx1 = x - x0f
                    fx0 = 1.0 - fx1
                    wy = (fy0, fy1)
                    wx = (fx0, fx1)
                    for k, (ky, kx) in enumerate(
                            ((0, 0), (0, 1), (1, 0), (1, 1))):
                        yc = y0 + ky
                        xc = x0 + kx
                        inb = ((yc >= 0) & (yc < H) & (xc >= 0) & (xc < W))
                        idx = jnp.where(inb, yc * W + xc, 0)
                        wgt = jnp.where(inb, wy[ky] * wx[kx], 0.0)
                        idx_refs[k][sl] = idx
                        w_refs[k][sl] = wgt

                cps = [pltpu.async_copy(xT.at[idx_refs[k]], g_refs[k], sem)
                       for k in range(4)]
                for cp in cps:
                    cp.wait()

                @pl.loop(0, G // LANES)
                def _(ci):
                    pb = ci * LANES
                    pbs = pl.ds(pb, LANES)
                    pidx = pb + iota16
                    wv0 = w0[pbs]
                    wv1 = w1[pbs]
                    wv2 = w2[pbs]
                    wv3 = w3[pbs]

                    @pl.loop(0, C, unroll=4)
                    def _(c):
                        cidx = lax.broadcast(c, (LANES,))
                        v0 = plsc.load_gather(g0, [pidx, cidx])
                        v1 = plsc.load_gather(g1, [pidx, cidx])
                        v2 = plsc.load_gather(g2, [pidx, cidx])
                        v3 = plsc.load_gather(g3, [pidx, cidx])
                        acc = v0 * wv0 + v1 * wv1 + v2 * wv2 + v3 * wv3
                        out_v[c, pbs] = acc

                pltpu.sync_copy(
                    out_v, out.at[pl.ds(t * C, C), pl.ds(p0, G)])


@jax.jit
def _deform_columns(xT, off2, ymap, xmap):
    mesh = plsc.VectorSubcoreMesh(core_axis_name="c", subcore_axis_name="s")
    f = pl.kernel(
        _sc_body,
        out_type=jax.ShapeDtypeStruct((NTAP * C, HW), jnp.float32),
        mesh=mesh,
        compiler_params=pltpu.CompilerParams(
            use_tc_tiling_on_sc=False, needs_layout_passes=False),
        scratch_types=[
            pltpu.VMEM((G,), jnp.float32),
            pltpu.VMEM((G,), jnp.float32),
            pltpu.VMEM((G,), jnp.float32),
            pltpu.VMEM((G,), jnp.float32),
            pltpu.VMEM((G,), jnp.int32),
            pltpu.VMEM((G,), jnp.int32),
            pltpu.VMEM((G,), jnp.int32),
            pltpu.VMEM((G,), jnp.int32),
            pltpu.VMEM((G,), jnp.float32),
            pltpu.VMEM((G,), jnp.float32),
            pltpu.VMEM((G,), jnp.float32),
            pltpu.VMEM((G,), jnp.float32),
            pltpu.VMEM((G, C), jnp.float32),
            pltpu.VMEM((G, C), jnp.float32),
            pltpu.VMEM((G, C), jnp.float32),
            pltpu.VMEM((G, C), jnp.float32),
            pltpu.VMEM((C, G), jnp.float32),
            pltpu.SemaphoreType.DMA,
        ],
    )
    return f(xT, off2, ymap, xmap)


def kernel(x, offset):
    x2 = x.reshape(C, HW)
    off2 = offset.reshape(2 * NTAP, HW)
    xT = _make_table(x2)
    ymap = jnp.broadcast_to(
        jnp.arange(H, dtype=jnp.float32)[:, None], (H, W)).reshape(HW)
    xmap = jnp.broadcast_to(
        jnp.arange(W, dtype=jnp.float32)[None, :], (H, W)).reshape(HW)
    cols = _deform_columns(xT, off2, ymap, xmap)
    return cols.reshape(1, NTAP * C, H, W)

# --- scband reference (transcript-rebuilt; emitter-appended) ---
"""Pipeline reference for scband-modulated-deform-conv2d-fast-12996571038285 (READ-ONLY COPY).

The authoritative reference and input builder live on the scoring server;
editing this copy changes nothing except your own understanding.
"""

import jax, jax.numpy as jnp
import numpy as np

KH = 3
KW = 3
DG = 1


def setup_inputs(seed: int = 0) -> dict:
    key = jax.random.key(seed)
    k1, k2 = jax.random.split(key)
    x = jax.random.normal(k1, (1, 96, 224, 224), dtype=jnp.float32)
    offset = jax.random.normal(k2, (1, DG * KH * KW * 2, 224, 224), dtype=jnp.float32)
    return {"x": x, "offset": offset}


def _bilinear_sample(img, y, x):
    # img: (b, cpg, H, W); y, x: (b, H, W) float sampling coordinates
    b, cpg, H, W = img.shape
    y0 = jnp.floor(y)
    x0 = jnp.floor(x)
    wy1 = y - y0
    wx1 = x - x0
    wy0 = 1.0 - wy1
    wx0 = 1.0 - wx1
    flat = img.reshape(b, cpg, H * W)

    def gather(yi, xi):
        valid = (yi >= 0) & (yi <= H - 1) & (xi >= 0) & (xi <= W - 1)
        yc = jnp.clip(yi, 0, H - 1).astype(jnp.int32)
        xc = jnp.clip(xi, 0, W - 1).astype(jnp.int32)
        idx = (yc * W + xc).reshape(b, 1, H * W)
        g = jnp.take_along_axis(flat, jnp.broadcast_to(idx, (b, cpg, H * W)), axis=2)
        g = g.reshape(b, cpg, H, W)
        return g * valid.astype(img.dtype)[:, None, :, :]

    v00 = gather(y0, x0)
    v01 = gather(y0, x0 + 1.0)
    v10 = gather(y0 + 1.0, x0)
    v11 = gather(y0 + 1.0, x0 + 1.0)
    w00 = (wy0 * wx0)[:, None, :, :]
    w01 = (wy0 * wx1)[:, None, :, :]
    w10 = (wy1 * wx0)[:, None, :, :]
    w11 = (wy1 * wx1)[:, None, :, :]
    return v00 * w00 + v01 * w01 + v10 * w10 + v11 * w11


def reference(x, offset):
    # Faithful port of modulated_deform_conv_fast forward: for each deform group g,
    # kernel tap (i, j), bilinearly sample the input at (h + i - pad_h + dy, w + j - pad_w + dx)
    # producing im2col-style columns of shape (b, dg*kh*kw*cpg, H, W).
    b, c, H, W = x.shape
    cpg = c // DG
    pad_h = (KH - 1) // 2
    pad_w = (KW - 1) // 2
    off = offset.reshape(b, DG, KH, KW, 2, H, W)
    base_y = jnp.arange(H, dtype=x.dtype)[None, :, None]
    base_x = jnp.arange(W, dtype=x.dtype)[None, None, :]
    outs = []
    for g in range(DG):
        img = x[:, g * cpg:(g + 1) * cpg]
        for i in range(KH):
            for j in range(KW):
                y = base_y + float(i - pad_h) + off[:, g, i, j, 0]
                xx = base_x + float(j - pad_w) + off[:, g, i, j, 1]
                outs.append(_bilinear_sample(img, y, xx))
    return jnp.concatenate(outs, axis=1)

if __name__ == "__main__":
    import jax
    _d = setup_inputs()
    print(jax.jit(kernel)(*tuple(_d.values())))

</pallas_src>

<mosaic_0001>
#map = affine_map<(d0, d1) -> (0, 0)>
#map1 = affine_map<(d0, d1) -> (0)>
module attributes {stable_mosaic.version = 14 : i64} {
  func.func @_sc_body(%arg0: i32, %arg1: i32, %arg2: memref<50176x96xf32, #tpu.memory_space<hbm>>, %arg3: memref<18x50176xf32, #tpu.memory_space<hbm>>, %arg4: memref<50176xf32, #tpu.memory_space<hbm>>, %arg5: memref<50176xf32, #tpu.memory_space<hbm>>, %arg6: memref<864x50176xf32, #tpu.memory_space<hbm>>, %arg7: memref<112xf32, #tpu.memory_space<vmem>>, %arg8: memref<112xf32, #tpu.memory_space<vmem>>, %arg9: memref<112xf32, #tpu.memory_space<vmem>>, %arg10: memref<112xf32, #tpu.memory_space<vmem>>, %arg11: memref<112xi32, #tpu.memory_space<vmem>>, %arg12: memref<112xi32, #tpu.memory_space<vmem>>, %arg13: memref<112xi32, #tpu.memory_space<vmem>>, %arg14: memref<112xi32, #tpu.memory_space<vmem>>, %arg15: memref<112xf32, #tpu.memory_space<vmem>>, %arg16: memref<112xf32, #tpu.memory_space<vmem>>, %arg17: memref<112xf32, #tpu.memory_space<vmem>>, %arg18: memref<112xf32, #tpu.memory_space<vmem>>, %arg19: memref<112x96xf32, #tpu.memory_space<vmem>>, %arg20: memref<112x96xf32, #tpu.memory_space<vmem>>, %arg21: memref<112x96xf32, #tpu.memory_space<vmem>>, %arg22: memref<112x96xf32, #tpu.memory_space<vmem>>, %arg23: memref<96x112xf32, #tpu.memory_space<vmem>>, %arg24: memref<!tpu.dma_semaphore, #tpu.memory_space<semaphore_mem>>) attributes {dimension_semantics = [#tpu.dimension_semantics<core_parallel>, #tpu.dimension_semantics<subcore_parallel>], iteration_bounds = array<i64: 2, 16>, scalar_prefetch = 0 : i64, scratch_operands = 18 : i64, tpu.core_type = #tpu.core_type<sc_vector_subcore>, window_params = [{transform_indices = #map}, {transform_indices = #map}, {transform_indices = #map1}, {transform_indices = #map1}, {transform_indices = #map}]} {
    %mul3A = arith.constant 2 : i32
    %mul3A_0 = arith.muli %arg1, %mul3A : i32
    %add3A = arith.addi %mul3A_0, %arg0 : i32
    %mul3A_1 = arith.constant 1568 : i32
    %mul3A_2 = arith.muli %add3A, %mul3A_1 : i32
    %iota3A = tpu.iota {dimensions = array<i32: 0>} : vector<16xi32>
    %scan3A = arith.constant 0 : i32
    %scan3A_3 = arith.constant 3 : i32
    %scan3A_4 = arith.addi %scan3A, %scan3A_3 : i32
    %scan3A_5 = arith.constant 1 : i32
    scf.for %scan3A_7 = %scan3A to %scan3A_4 step %scan3A_5  : i32 {
      %mul3A_8 = arith.constant 1 : i32
      %mul3A_9 = arith.muli %scan3A_7, %mul3A_8 : i32
      %add3A_10 = arith.constant 0 : i32
      %add3A_11 = arith.addi %add3A_10, %mul3A_9 : i32
      %scan3A_12 = arith.constant 0 : i32
      %scan3A_13 = arith.constant 3 : i32
      %scan3A_14 = arith.addi %scan3A_12, %scan3A_13 : i32
      %scan3A_15 = arith.constant 1 : i32
      scf.for %scan3A_17 = %scan3A_12 to %scan3A_14 step %scan3A_15  : i32 {
        %mul3A_18 = arith.constant 1 : i32
        %mul3A_19 = arith.muli %scan3A_17, %mul3A_18 : i32
        %add3A_20 = arith.constant 0 : i32
        %add3A_21 = arith.addi %add3A_20, %mul3A_19 : i32
        %mul3A_22 = arith.constant 3 : i32
        %mul3A_23 = arith.muli %add3A_11, %mul3A_22 : i32
        %add3A_24 = arith.addi %mul3A_23, %add3A_21 : i32
        %sub3A = arith.constant 1 : i32
        %sub3A_25 = arith.subi %add3A_11, %sub3A : i32
        %convert_element_type3A = arith.sitofp %sub3A_25 : i32 to f32
        %sub3A_26 = arith.constant 1 : i32
        %sub3A_27 = arith.subi %add3A_21, %sub3A_26 : i32
        %convert_element_type3A_28 = arith.sitofp %sub3A_27 : i32 to f32
        %scan3A_29 = arith.constant 0 : i32
        %scan3A_30 = arith.constant 14 : i32
        %scan3A_31 = arith.addi %scan3A_29, %scan3A_30 : i32
        %scan3A_32 = arith.constant 1 : i32
        scf.for %scan3A_34 = %scan3A_29 to %scan3A_31 step %scan3A_32  : i32 {
          %mul3A_35 = arith.constant 1 : i32
          %mul3A_36 = arith.muli %scan3A_34, %mul3A_35 : i32
          %add3A_37 = arith.constant 0 : i32
          %add3A_38 = arith.addi %add3A_37, %mul3A_36 : i32
          %mul3A_39 = arith.constant 112 : i32
          %mul3A_40 = arith.muli %add3A_38, %mul3A_39 : i32
          %add3A_41 = arith.addi %mul3A_2, %mul3A_40 : i32
          %mul3A_42 = arith.constant 2 : i32
          %mul3A_43 = arith.muli %mul3A_42, %add3A_24 : i32
          "tpu.region"() ({
            %run_scoped3A = tpu.sem_alloc : memref<!tpu.dma_semaphore, #tpu.memory_space<semaphore_mem>>
            %dma_start3A_82 = tpu.memref_slice %arg3[%mul3A_43, %add3A_41] : memref<18x50176xf32, #tpu.memory_space<hbm>> -> memref<1x112xf32, #tpu.memory_space<hbm>>
            %dma_start3A_83 = tpu.memref_squeeze %dma_start3A_82 : memref<1x112xf32, #tpu.memory_space<hbm>> -> memref<112xf32, #tpu.memory_space<hbm>>
            %dma_start3A_84 = tpu.memref_slice %arg3[%mul3A_43, %add3A_41] : memref<18x50176xf32, #tpu.memory_space<hbm>> -> memref<1x112xf32, #tpu.memory_space<hbm>>
            %dma_start3A_85 = tpu.memref_squeeze %dma_start3A_84 : memref<1x112xf32, #tpu.memory_space<hbm>> -> memref<112xf32, #tpu.memory_space<hbm>>
            tpu.enqueue_dma source(%dma_start3A_85 : memref<112xf32, #tpu.memory_space<hbm>>) target(%arg7 : memref<112xf32, #tpu.memory_space<vmem>>) target_semaphore(%run_scoped3A : memref<!tpu.dma_semaphore, #tpu.memory_space<semaphore_mem>>)
            %dma_wait3A_86 = tpu.memref_slice %arg3[%mul3A_43, %add3A_41] : memref<18x50176xf32, #tpu.memory_space<hbm>> -> memref<1x112xf32, #tpu.memory_space<hbm>>
            %dma_wait3A_87 = tpu.memref_squeeze %dma_wait3A_86 : memref<1x112xf32, #tpu.memory_space<hbm>> -> memref<112xf32, #tpu.memory_space<hbm>>
            %dma_wait3A_88 = tpu.memref_slice %arg3[%mul3A_43, %add3A_41] : memref<18x50176xf32, #tpu.memory_space<hbm>> -> memref<1x112xf32, #tpu.memory_space<hbm>>
            %dma_wait3A_89 = tpu.memref_squeeze %dma_wait3A_88 : memref<1x112xf32, #tpu.memory_space<hbm>> -> memref<112xf32, #tpu.memory_space<hbm>>
            tpu.wait_dma2 semaphore(%run_scoped3A : memref<!tpu.dma_semaphore, #tpu.memory_space<semaphore_mem>>) src(%dma_wait3A_89 : memref<112xf32, #tpu.memory_space<hbm>>) dst(%arg7 : memref<112xf32, #tpu.memory_space<vmem>>)
            tpu.yield
          }) : () -> ()
          %mul3A_44 = arith.constant 2 : i32
          %mul3A_45 = arith.muli %mul3A_44, %add3A_24 : i32
          %add3A_46 = arith.constant 1 : i32
          %add3A_47 = arith.addi %mul3A_45, %add3A_46 : i32
          "tpu.region"() ({
            %run_scoped3A = tpu.sem_alloc : memref<!tpu.dma_semaphore, #tpu.memory_space<semaphore_mem>>
            %dma_start3A_82 = tpu.memref_slice %arg3[%add3A_47, %add3A_41] : memref<18x50176xf32, #tpu.memory_space<hbm>> -> memref<1x112xf32, #tpu.memory_space<hbm>>
            %dma_start3A_83 = tpu.memref_squeeze %dma_start3A_82 : memref<1x112xf32, #tpu.memory_space<hbm>> -> memref<112xf32, #tpu.memory_space<hbm>>
            %dma_start3A_84 = tpu.memref_slice %arg3[%add3A_47, %add3A_41] : memref<18x50176xf32, #tpu.memory_space<hbm>> -> memref<1x112xf32, #tpu.memory_space<hbm>>
            %dma_start3A_85 = tpu.memref_squeeze %dma_start3A_84 : memref<1x112xf32, #tpu.memory_space<hbm>> -> memref<112xf32, #tpu.memory_space<hbm>>
            tpu.enqueue_dma source(%dma_start3A_85 : memref<112xf32, #tpu.memory_space<hbm>>) target(%arg8 : memref<112xf32, #tpu.memory_space<vmem>>) target_semaphore(%run_scoped3A : memref<!tpu.dma_semaphore, #tpu.memory_space<semaphore_mem>>)
            %dma_wait3A_86 = tpu.memref_slice %arg3[%add3A_47, %add3A_41] : memref<18x50176xf32, #tpu.memory_space<hbm>> -> memref<1x112xf32, #tpu.memory_space<hbm>>
            %dma_wait3A_87 = tpu.memref_squeeze %dma_wait3A_86 : memref<1x112xf32, #tpu.memory_space<hbm>> -> memref<112xf32, #tpu.memory_space<hbm>>
            %dma_wait3A_88 = tpu.memref_slice %arg3[%add3A_47, %add3A_41] : memref<18x50176xf32, #tpu.memory_space<hbm>> -> memref<1x112xf32, #tpu.memory_space<hbm>>
            %dma_wait3A_89 = tpu.memref_squeeze %dma_wait3A_88 : memref<1x112xf32, #tpu.memory_space<hbm>> -> memref<112xf32, #tpu.memory_space<hbm>>
            tpu.wait_dma2 semaphore(%run_scoped3A : memref<!tpu.dma_semaphore, #tpu.memory_space<semaphore_mem>>) src(%dma_wait3A_89 : memref<112xf32, #tpu.memory_space<hbm>>) dst(%arg8 : memref<112xf32, #tpu.memory_space<vmem>>)
            tpu.yield
          }) : () -> ()
          "tpu.region"() ({
            %run_scoped3A = tpu.sem_alloc : memref<!tpu.dma_semaphore, #tpu.memory_space<semaphore_mem>>
            %dma_start3A_82 = tpu.memref_slice %arg4[%add3A_41] : memref<50176xf32, #tpu.memory_space<hbm>> -> memref<112xf32, #tpu.memory_space<hbm>>
            %dma_start3A_83 = tpu.memref_slice %arg4[%add3A_41] : memref<50176xf32, #tpu.memory_space<hbm>> -> memref<112xf32, #tpu.memory_space<hbm>>
            tpu.enqueue_dma source(%dma_start3A_83 : memref<112xf32, #tpu.memory_space<hbm>>) target(%arg9 : memref<112xf32, #tpu.memory_space<vmem>>) target_semaphore(%run_scoped3A : memref<!tpu.dma_semaphore, #tpu.memory_space<semaphore_mem>>)
            %dma_wait3A_84 = tpu.memref_slice %arg4[%add3A_41] : memref<50176xf32, #tpu.memory_space<hbm>> -> memref<112xf32, #tpu.memory_space<hbm>>
            %dma_wait3A_85 = tpu.memref_slice %arg4[%add3A_41] : memref<50176xf32, #tpu.memory_space<hbm>> -> memref<112xf32, #tpu.memory_space<hbm>>
            tpu.wait_dma2 semaphore(%run_scoped3A : memref<!tpu.dma_semaphore, #tpu.memory_space<semaphore_mem>>) src(%dma_wait3A_85 : memref<112xf32, #tpu.memory_space<hbm>>) dst(%arg9 : memref<112xf32, #tpu.memory_space<vmem>>)
            tpu.yield
          }) : () -> ()
          "tpu.region"() ({
            %run_scoped3A = tpu.sem_alloc : memref<!tpu.dma_semaphore, #tpu.memory_space<semaphore_mem>>
            %dma_start3A_82 = tpu.memref_slice %arg5[%add3A_41] : memref<50176xf32, #tpu.memory_space<hbm>> -> memref<112xf32, #tpu.memory_space<hbm>>
            %dma_start3A_83 = tpu.memref_slice %arg5[%add3A_41] : memref<50176xf32, #tpu.memory_space<hbm>> -> memref<112xf32, #tpu.memory_space<hbm>>
            tpu.enqueue_dma source(%dma_start3A_83 : memref<112xf32, #tpu.memory_space<hbm>>) target(%arg10 : memref<112xf32, #tpu.memory_space<vmem>>) target_semaphore(%run_scoped3A : memref<!tpu.dma_semaphore, #tpu.memory_space<semaphore_mem>>)
            %dma_wait3A_84 = tpu.memref_slice %arg5[%add3A_41] : memref<50176xf32, #tpu.memory_space<hbm>> -> memref<112xf32, #tpu.memory_space<hbm>>
            %dma_wait3A_85 = tpu.memref_slice %arg5[%add3A_41] : memref<50176xf32, #tpu.memory_space<hbm>> -> memref<112xf32, #tpu.memory_space<hbm>>
            tpu.wait_dma2 semaphore(%run_scoped3A : memref<!tpu.dma_semaphore, #tpu.memory_space<semaphore_mem>>) src(%dma_wait3A_85 : memref<112xf32, #tpu.memory_space<hbm>>) dst(%arg10 : memref<112xf32, #tpu.memory_space<vmem>>)
            tpu.yield
          }) : () -> ()
          %scan3A_48 = arith.constant 0 : i32
          %scan3A_49 = arith.constant 7 : i32
          %scan3A_50 = arith.addi %scan3A_48, %scan3A_49 : i32
          %scan3A_51 = arith.constant 1 : i32
          scf.for %scan3A_82 = %scan3A_48 to %scan3A_50 step %scan3A_51  : i32 {
            %mul3A_83 = arith.constant 1 : i32
            %mul3A_84 = arith.muli %scan3A_82, %mul3A_83 : i32
            %add3A_85 = arith.constant 0 : i32
            %add3A_86 = arith.addi %add3A_85, %mul3A_84 : i32
            %mul3A_87 = arith.constant 16 : i32
            %mul3A_88 = arith.muli %add3A_86, %mul3A_87 : i32
            %get3A = arith.index_cast %mul3A_88 : i32 to index
            %get3A_89 = tpu.vector_load %arg9[%get3A] {strides = array<i32>} : memref<112xf32, #tpu.memory_space<vmem>>, vector<16xf32>,
            %get3A_90 = arith.index_cast %mul3A_88 : i32 to index
            %get3A_91 = tpu.vector_load %arg7[%get3A_90] {strides = array<i32>} : memref<112xf32, #tpu.memory_space<vmem>>, vector<16xf32>,
            %add3A_92 = arith.addf %get3A_89, %get3A_91 : vector<16xf32>
            %add3A_93 = vector.broadcast %convert_element_type3A : f32 to vector<16xf32>
            %add3A_94 = arith.addf %add3A_92, %add3A_93 : vector<16xf32>
            %get3A_95 = arith.index_cast %mul3A_88 : i32 to index
            %get3A_96 = tpu.vector_load %arg10[%get3A_95] {strides = array<i32>} : memref<112xf32, #tpu.memory_space<vmem>>, vector<16xf32>,
            %get3A_97 = arith.index_cast %mul3A_88 : i32 to index
            %get3A_98 = tpu.vector_load %arg8[%get3A_97] {strides = array<i32>} : memref<112xf32, #tpu.memory_space<vmem>>, vector<16xf32>,
            %add3A_99 = arith.addf %get3A_96, %get3A_98 : vector<16xf32>
            %add3A_100 = vector.broadcast %convert_element_type3A_28 : f32 to vector<16xf32>
            %add3A_101 = arith.addf %add3A_99, %add3A_100 : vector<16xf32>
            %convert_element_type3A_102 = arith.fptosi %add3A_94 : vector<16xf32> to vector<16xi32>
            %convert_element_type3A_103 = arith.sitofp %convert_element_type3A_102 : vector<16xi32> to vector<16xf32>
            %gt3A = arith.cmpf ogt, %convert_element_type3A_103, %add3A_94 : vector<16xf32>
            %sub3A_104 = arith.constant 1.000000e+00 : f32
            %sub3A_105 = vector.broadcast %sub3A_104 : f32 to vector<16xf32>
            %sub3A_106 = arith.subf %convert_element_type3A_103, %sub3A_105 : vector<16xf32>
            %select_n3A = arith.select %gt3A, %sub3A_106, %convert_element_type3A_103 : vector<16xi1>, vector<16xf32>
            %convert_element_type3A_107 = arith.fptosi %select_n3A : vector<16xf32> to vector<16xi32>
            %convert_element_type3A_108 = arith.fptosi %add3A_101 : vector<16xf32> to vector<16xi32>
            %convert_element_type3A_109 = arith.sitofp %convert_element_type3A_108 : vector<16xi32> to vector<16xf32>
            %gt3A_110 = arith.cmpf ogt, %convert_element_type3A_109, %add3A_101 : vector<16xf32>
            %sub3A_111 = arith.constant 1.000000e+00 : f32
            %sub3A_112 = vector.broadcast %sub3A_111 : f32 to vector<16xf32>
            %sub3A_113 = arith.subf %convert_element_type3A_109, %sub3A_112 : vector<16xf32>
            %select_n3A_114 = arith.select %gt3A_110, %sub3A_113, %convert_element_type3A_109 : vector<16xi1>, vector<16xf32>
            %convert_element_type3A_115 = arith.fptosi %select_n3A_114 : vector<16xf32> to vector<16xi32>
            %sub3A_116 = arith.subf %add3A_94, %select_n3A : vector<16xf32>
            %sub3A_117 = arith.constant 1.000000e+00 : f32
            %sub3A_118 = vector.broadcast %sub3A_117 : f32 to vector<16xf32>
            %sub3A_119 = arith.subf %sub3A_118, %sub3A_116 : vector<16xf32>
            %sub3A_120 = arith.subf %add3A_101, %select_n3A_114 : vector<16xf32>
            %sub3A_121 = arith.constant 1.000000e+00 : f32
            %sub3A_122 = vector.broadcast %sub3A_121 : f32 to vector<16xf32>
            %sub3A_123 = arith.subf %sub3A_122, %sub3A_120 : vector<16xf32>
            %add3A_124 = arith.constant 0 : i32
            %add3A_125 = vector.broadcast %add3A_124 : i32 to vector<16xi32>
            %add3A_126 = arith.addi %convert_element_type3A_107, %add3A_125 : vector<16xi32>
            %add3A_127 = arith.constant 0 : i32
            %add3A_128 = vector.broadcast %add3A_127 : i32 to vector<16xi32>
            %add3A_129 = arith.addi %convert_element_type3A_115, %add3A_128 : vector<16xi32>
            %ge3A = arith.constant 0 : i32
            %ge3A_130 = vector.broadcast %ge3A : i32 to vector<16xi32>
            %ge3A_131 = arith.cmpi sge, %add3A_126, %ge3A_130 : vector<16xi32>
            %lt3A = arith.constant 224 : i32
            %lt3A_132 = vector.broadcast %lt3A : i32 to vector<16xi32>
            %lt3A_133 = arith.cmpi slt, %add3A_126, %lt3A_132 : vector<16xi32>
            %and3A = arith.andi %ge3A_131, %lt3A_133 : vector<16xi1>
            %ge3A_134 = arith.constant 0 : i32
            %ge3A_135 = vector.broadcast %ge3A_134 : i32 to vector<16xi32>
            %ge3A_136 = arith.cmpi sge, %add3A_129, %ge3A_135 : vector<16xi32>
            %and3A_137 = arith.andi %and3A, %ge3A_136 : vector<16xi1>
            %lt3A_138 = arith.constant 224 : i32
            %lt3A_139 = vector.broadcast %lt3A_138 : i32 to vector<16xi32>
            %lt3A_140 = arith.cmpi slt, %add3A_129, %lt3A_139 : vector<16xi32>
            %and3A_141 = arith.andi %and3A_137, %lt3A_140 : vector<16xi1>
            %mul3A_142 = arith.constant 224 : i32
            %mul3A_143 = vector.broadcast %mul3A_142 : i32 to vector<16xi32>
            %mul3A_144 = arith.muli %add3A_126, %mul3A_143 : vector<16xi32>
            %add3A_145 = arith.addi %mul3A_144, %add3A_129 : vector<16xi32>
            %jit3A = arith.constant 0 : i32
            %broadcast_in_dim3A = vector.broadcast %jit3A : i32 to vector<16xi32>
            %select_n3A_146 = arith.select %and3A_141, %add3A_145, %broadcast_in_dim3A : vector<16xi1>, vector<16xi32>
            %mul3A_147 = arith.mulf %sub3A_119, %sub3A_123 : vector<16xf32>
            %jit3A_148 = arith.constant 0.000000e+00 : f32
            %broadcast_in_dim3A_149 = vector.broadcast %jit3A_148 : f32 to vector<16xf32>
            %select_n3A_150 = arith.select %and3A_141, %mul3A_147, %broadcast_in_dim3A_149 : vector<16xi1>, vector<16xf32>
            %swap3A = arith.index_cast %mul3A_88 : i32 to index
            %swap3A_151 = tpu.vector_load %arg11[%swap3A] {strides = array<i32>} : memref<112xi32, #tpu.memory_space<vmem>>, vector<16xi32>,
            tpu.vector_store %arg11[%swap3A], %select_n3A_146 {strides = array<i32>} : memref<112xi32, #tpu.memory_space<vmem>>, vector<16xi32>,
            %swap3A_152 = arith.index_cast %mul3A_88 : i32 to index
            %swap3A_153 = tpu.vector_load %arg15[%swap3A_152] {strides = array<i32>} : memref<112xf32, #tpu.memory_space<vmem>>, vector<16xf32>,
            tpu.vector_store %arg15[%swap3A_152], %select_n3A_150 {strides = array<i32>} : memref<112xf32, #tpu.memory_space<vmem>>, vector<16xf32>,
            %add3A_154 = arith.constant 0 : i32
            %add3A_155 = vector.broadcast %add3A_154 : i32 to vector<16xi32>
            %add3A_156 = arith.addi %convert_element_type3A_107, %add3A_155 : vector<16xi32>
            %add3A_157 = arith.constant 1 : i32
            %add3A_158 = vector.broadcast %add3A_157 : i32 to vector<16xi32>
            %add3A_159 = arith.addi %convert_element_type3A_115, %add3A_158 : vector<16xi32>
            %ge3A_160 = arith.constant 0 : i32
            %ge3A_161 = vector.broadcast %ge3A_160 : i32 to vector<16xi32>
            %ge3A_162 = arith.cmpi sge, %add3A_156, %ge3A_161 : vector<16xi32>
            %lt3A_163 = arith.constant 224 : i32
            %lt3A_164 = vector.broadcast %lt3A_163 : i32 to vector<16xi32>
            %lt3A_165 = arith.cmpi slt, %add3A_156, %lt3A_164 : vector<16xi32>
            %and3A_166 = arith.andi %ge3A_162, %lt3A_165 : vector<16xi1>
            %ge3A_167 = arith.constant 0 : i32
            %ge3A_168 = vector.broadcast %ge3A_167 : i32 to vector<16xi32>
            %ge3A_169 = arith.cmpi sge, %add3A_159, %ge3A_168 : vector<16xi32>
            %and3A_170 = arith.andi %and3A_166, %ge3A_169 : vector<16xi1>
            %lt3A_171 = arith.constant 224 : i32
            %lt3A_172 = vector.broadcast %lt3A_171 : i32 to vector<16xi32>
            %lt3A_173 = arith.cmpi slt, %add3A_159, %lt3A_172 : vector<16xi32>
            %and3A_174 = arith.andi %and3A_170, %lt3A_173 : vector<16xi1>
            %mul3A_175 = arith.constant 224 : i32
            %mul3A_176 = vector.broadcast %mul3A_175 : i32 to vector<16xi32>
            %mul3A_177 = arith.muli %add3A_156, %mul3A_176 : vector<16xi32>
            %add3A_178 = arith.addi %mul3A_177, %add3A_159 : vector<16xi32>
            %jit3A_179 = arith.constant 0 : i32
            %broadcast_in_dim3A_180 = vector.broadcast %jit3A_179 : i32 to vector<16xi32>
            %select_n3A_181 = arith.select %and3A_174, %add3A_178, %broadcast_in_dim3A_180 : vector<16xi1>, vector<16xi32>
            %mul3A_182 = arith.mulf %sub3A_119, %sub3A_120 : vector<16xf32>
            %jit3A_183 = arith.constant 0.000000e+00 : f32
            %broadcast_in_dim3A_184 = vector.broadcast %jit3A_183 : f32 to vector<16xf32>
            %select_n3A_185 = arith.select %and3A_174, %mul3A_182, %broadcast_in_dim3A_184 : vector<16xi1>, vector<16xf32>
            %swap3A_186 = arith.index_cast %mul3A_88 : i32 to index
            %swap3A_187 = tpu.vector_load %arg12[%swap3A_186] {strides = array<i32>} : memref<112xi32, #tpu.memory_space<vmem>>, vector<16xi32>,
            tpu.vector_store %arg12[%swap3A_186], %select_n3A_181 {strides = array<i32>} : memref<112xi32, #tpu.memory_space<vmem>>, vector<16xi32>,
            %swap3A_188 = arith.index_cast %mul3A_88 : i32 to index
            %swap3A_189 = tpu.vector_load %arg16[%swap3A_188] {strides = array<i32>} : memref<112xf32, #tpu.memory_space<vmem>>, vector<16xf32>,
            tpu.vector_store %arg16[%swap3A_188], %select_n3A_185 {strides = array<i32>} : memref<112xf32, #tpu.memory_space<vmem>>, vector<16xf32>,
            %add3A_190 = arith.constant 1 : i32
            %add3A_191 = vector.broadcast %add3A_190 : i32 to vector<16xi32>
            %add3A_192 = arith.addi %convert_element_type3A_107, %add3A_191 : vector<16xi32>
            %add3A_193 = arith.constant 0 : i32
            %add3A_194 = vector.broadcast %add3A_193 : i32 to vector<16xi32>
            %add3A_195 = arith.addi %convert_element_type3A_115, %add3A_194 : vector<16xi32>
            %ge3A_196 = arith.constant 0 : i32
            %ge3A_197 = vector.broadcast %ge3A_196 : i32 to vector<16xi32>
            %ge3A_198 = arith.cmpi sge, %add3A_192, %ge3A_197 : vector<16xi32>
            %lt3A_199 = arith.constant 224 : i32
            %lt3A_200 = vector.broadcast %lt3A_199 : i32 to vector<16xi32>
            %lt3A_201 = arith.cmpi slt, %add3A_192, %lt3A_200 : vector<16xi32>
            %and3A_202 = arith.andi %ge3A_198, %lt3A_201 : vector<16xi1>
            %ge3A_203 = arith.constant 0 : i32
            %ge3A_204 = vector.broadcast %ge3A_203 : i32 to vector<16xi32>
            %ge3A_205 = arith.cmpi sge, %add3A_195, %ge3A_204 : vector<16xi32>
            %and3A_206 = arith.andi %and3A_202, %ge3A_205 : vector<16xi1>
            %lt3A_207 = arith.constant 224 : i32
            %lt3A_208 = vector.broadcast %lt3A_207 : i32 to vector<16xi32>
            %lt3A_209 = arith.cmpi slt, %add3A_195, %lt3A_208 : vector<16xi32>
            %and3A_210 = arith.andi %and3A_206, %lt3A_209 : vector<16xi1>
            %mul3A_211 = arith.constant 224 : i32
            %mul3A_212 = vector.broadcast %mul3A_211 : i32 to vector<16xi32>
            %mul3A_213 = arith.muli %add3A_192, %mul3A_212 : vector<16xi32>
            %add3A_214 = arith.addi %mul3A_213, %add3A_195 : vector<16xi32>
            %jit3A_215 = arith.constant 0 : i32
            %broadcast_in_dim3A_216 = vector.broadcast %jit3A_215 : i32 to vector<16xi32>
            %select_n3A_217 = arith.select %and3A_210, %add3A_214, %broadcast_in_dim3A_216 : vector<16xi1>, vector<16xi32>
            %mul3A_218 = arith.mulf %sub3A_116, %sub3A_123 : vector<16xf32>
            %jit3A_219 = arith.constant 0.000000e+00 : f32
            %broadcast_in_dim3A_220 = vector.broadcast %jit3A_219 : f32 to vector<16xf32>
            %select_n3A_221 = arith.select %and3A_210, %mul3A_218, %broadcast_in_dim3A_220 : vector<16xi1>, vector<16xf32>
            %swap3A_222 = arith.index_cast %mul3A_88 : i32 to index
            %swap3A_223 = tpu.vector_load %arg13[%swap3A_222] {strides = array<i32>} : memref<112xi32, #tpu.memory_space<vmem>>, vector<16xi32>,
            tpu.vector_store %arg13[%swap3A_222], %select_n3A_217 {strides = array<i32>} : memref<112xi32, #tpu.memory_space<vmem>>, vector<16xi32>,
            %swap3A_224 = arith.index_cast %mul3A_88 : i32 to index
            %swap3A_225 = tpu.vector_load %arg17[%swap3A_224] {strides = array<i32>} : memref<112xf32, #tpu.memory_space<vmem>>, vector<16xf32>,
            tpu.vector_store %arg17[%swap3A_224], %select_n3A_221 {strides = array<i32>} : memref<112xf32, #tpu.memory_space<vmem>>, vector<16xf32>,
            %add3A_226 = arith.constant 1 : i32
            %add3A_227 = vector.broadcast %add3A_226 : i32 to vector<16xi32>
            %add3A_228 = arith.addi %convert_element_type3A_107, %add3A_227 : vector<16xi32>
            %add3A_229 = arith.constant 1 : i32
            %add3A_230 = vector.broadcast %add3A_229 : i32 to vector<16xi32>
            %add3A_231 = arith.addi %convert_element_type3A_115, %add3A_230 : vector<16xi32>
            %ge3A_232 = arith.constant 0 : i32
            %ge3A_233 = vector.broadcast %ge3A_232 : i32 to vector<16xi32>
            %ge3A_234 = arith.cmpi sge, %add3A_228, %ge3A_233 : vector<16xi32>
            %lt3A_235 = arith.constant 224 : i32
            %lt3A_236 = vector.broadcast %lt3A_235 : i32 to vector<16xi32>
            %lt3A_237 = arith.cmpi slt, %add3A_228, %lt3A_236 : vector<16xi32>
            %and3A_238 = arith.andi %ge3A_234, %lt3A_237 : vector<16xi1>
            %ge3A_239 = arith.constant 0 : i32
            %ge3A_240 = vector.broadcast %ge3A_239 : i32 to vector<16xi32>
            %ge3A_241 = arith.cmpi sge, %add3A_231, %ge3A_240 : vector<16xi32>
            %and3A_242 = arith.andi %and3A_238, %ge3A_241 : vector<16xi1>
            %lt3A_243 = arith.constant 224 : i32
            %lt3A_244 = vector.broadcast %lt3A_243 : i32 to vector<16xi32>
            %lt3A_245 = arith.cmpi slt, %add3A_231, %lt3A_244 : vector<16xi32>
            %and3A_246 = arith.andi %and3A_242, %lt3A_245 : vector<16xi1>
            %mul3A_247 = arith.constant 224 : i32
            %mul3A_248 = vector.broadcast %mul3A_247 : i32 to vector<16xi32>
            %mul3A_249 = arith.muli %add3A_228, %mul3A_248 : vector<16xi32>
            %add3A_250 = arith.addi %mul3A_249, %add3A_231 : vector<16xi32>
            %jit3A_251 = arith.constant 0 : i32
            %broadcast_in_dim3A_252 = vector.broadcast %jit3A_251 : i32 to vector<16xi32>
            %select_n3A_253 = arith.select %and3A_246, %add3A_250, %broadcast_in_dim3A_252 : vector<16xi1>, vector<16xi32>
            %mul3A_254 = arith.mulf %sub3A_116, %sub3A_120 : vector<16xf32>
            %jit3A_255 = arith.constant 0.000000e+00 : f32
            %broadcast_in_dim3A_256 = vector.broadcast %jit3A_255 : f32 to vector<16xf32>
            %select_n3A_257 = arith.select %and3A_246, %mul3A_254, %broadcast_in_dim3A_256 : vector<16xi1>, vector<16xf32>
            %swap3A_258 = arith.index_cast %mul3A_88 : i32 to index
            %swap3A_259 = tpu.vector_load %arg14[%swap3A_258] {strides = array<i32>} : memref<112xi32, #tpu.memory_space<vmem>>, vector<16xi32>,
            tpu.vector_store %arg14[%swap3A_258], %select_n3A_253 {strides = array<i32>} : memref<112xi32, #tpu.memory_space<vmem>>, vector<16xi32>,
            %swap3A_260 = arith.index_cast %mul3A_88 : i32 to index
            %swap3A_261 = tpu.vector_load %arg18[%swap3A_260] {strides = array<i32>} : memref<112xf32, #tpu.memory_space<vmem>>, vector<16xf32>,
            tpu.vector_store %arg18[%swap3A_260], %select_n3A_257 {strides = array<i32>} : memref<112xf32, #tpu.memory_space<vmem>>, vector<16xf32>,
          }
          %scan3A_52 = arith.constant 7 : i32
          %dma_start3A = arith.constant 0 : i32
          %dma_start3A_53 = arith.constant 0 : i32
          %dma_start3A_54 = tpu.memref_slice %arg2[%dma_start3A, %dma_start3A_53] : memref<50176x96xf32, #tpu.memory_space<hbm>> -> memref<50176x96xf32, #tpu.memory_space<hbm>>
          tpu.enqueue_indirect_dma source(%dma_start3A_54 : memref<50176x96xf32, #tpu.memory_space<hbm>>) target(%arg19 : memref<112x96xf32, #tpu.memory_space<vmem>>) offsets(%arg11 : memref<112xi32, #tpu.memory_space<vmem>>) semaphore(%arg24 : memref<!tpu.dma_semaphore, #tpu.memory_space<semaphore_mem>>)
          %dma_start3A_55 = arith.constant 0 : i32
          %dma_start3A_56 = arith.constant 0 : i32
          %dma_start3A_57 = tpu.memref_slice %arg2[%dma_start3A_55, %dma_start3A_56] : memref<50176x96xf32, #tpu.memory_space<hbm>> -> memref<50176x96xf32, #tpu.memory_space<hbm>>
          tpu.enqueue_indirect_dma source(%dma_start3A_57 : memref<50176x96xf32, #tpu.memory_space<hbm>>) target(%arg20 : memref<112x96xf32, #tpu.memory_space<vmem>>) offsets(%arg12 : memref<112xi32, #tpu.memory_space<vmem>>) semaphore(%arg24 : memref<!tpu.dma_semaphore, #tpu.memory_space<semaphore_mem>>)
          %dma_start3A_58 = arith.constant 0 : i32
          %dma_start3A_59 = arith.constant 0 : i32
          %dma_start3A_60 = tpu.memref_slice %arg2[%dma_start3A_58, %dma_start3A_59] : memref<50176x96xf32, #tpu.memory_space<hbm>> -> memref<50176x96xf32, #tpu.memory_space<hbm>>
          tpu.enqueue_indirect_dma source(%dma_start3A_60 : memref<50176x96xf32, #tpu.memory_space<hbm>>) target(%arg21 : memref<112x96xf32, #tpu.memory_space<vmem>>) offsets(%arg13 : memref<112xi32, #tpu.memory_space<vmem>>) semaphore(%arg24 : memref<!tpu.dma_semaphore, #tpu.memory_space<semaphore_mem>>)
          %dma_start3A_61 = arith.constant 0 : i32
          %dma_start3A_62 = arith.constant 0 : i32
          %dma_start3A_63 = tpu.memref_slice %arg2[%dma_start3A_61, %dma_start3A_62] : memref<50176x96xf32, #tpu.memory_space<hbm>> -> memref<50176x96xf32, #tpu.memory_space<hbm>>
          tpu.enqueue_indirect_dma source(%dma_start3A_63 : memref<50176x96xf32, #tpu.memory_space<hbm>>) target(%arg22 : memref<112x96xf32, #tpu.memory_space<vmem>>) offsets(%arg14 : memref<112xi32, #tpu.memory_space<vmem>>) semaphore(%arg24 : memref<!tpu.dma_semaphore, #tpu.memory_space<semaphore_mem>>)
          %dma_wait3A = arith.constant 0 : i32
          %dma_wait3A_64 = arith.constant 0 : i32
          %dma_wait3A_65 = tpu.memref_slice %arg2[%dma_wait3A, %dma_wait3A_64] : memref<50176x96xf32, #tpu.memory_space<hbm>> -> memref<50176x96xf32, #tpu.memory_space<hbm>>
          tpu.wait_indirect_dma semaphore(%arg24 : memref<!tpu.dma_semaphore, #tpu.memory_space<semaphore_mem>>) src(%dma_wait3A_65 : memref<50176x96xf32, #tpu.memory_space<hbm>>) dst(%arg19 : memref<112x96xf32, #tpu.memory_space<vmem>>)
          %dma_wait3A_66 = arith.constant 0 : i32
          %dma_wait3A_67 = arith.constant 0 : i32
          %dma_wait3A_68 = tpu.memref_slice %arg2[%dma_wait3A_66, %dma_wait3A_67] : memref<50176x96xf32, #tpu.memory_space<hbm>> -> memref<50176x96xf32, #tpu.memory_space<hbm>>
          tpu.wait_indirect_dma semaphore(%arg24 : memref<!tpu.dma_semaphore, #tpu.memory_space<semaphore_mem>>) src(%dma_wait3A_68 : memref<50176x96xf32, #tpu.memory_space<hbm>>) dst(%arg20 : memref<112x96xf32, #tpu.memory_space<vmem>>)
          %dma_wait3A_69 = arith.constant 0 : i32
          %dma_wait3A_70 = arith.constant 0 : i32
          %dma_wait3A_71 = tpu.memref_slice %arg2[%dma_wait3A_69, %dma_wait3A_70] : memref<50176x96xf32, #tpu.memory_space<hbm>> -> memref<50176x96xf32, #tpu.memory_space<hbm>>
          tpu.wait_indirect_dma semaphore(%arg24 : memref<!tpu.dma_semaphore, #tpu.memory_space<semaphore_mem>>) src(%dma_wait3A_71 : memref<50176x96xf32, #tpu.memory_space<hbm>>) dst(%arg21 : memref<112x96xf32, #tpu.memory_space<vmem>>)
          %dma_wait3A_72 = arith.constant 0 : i32
          %dma_wait3A_73 = arith.constant 0 : i32
          %dma_wait3A_74 = tpu.memref_slice %arg2[%dma_wait3A_72, %dma_wait3A_73] : memref<50176x96xf32, #tpu.memory_space<hbm>> -> memref<50176x96xf32, #tpu.memory_space<hbm>>
          tpu.wait_indirect_dma semaphore(%arg24 : memref<!tpu.dma_semaphore, #tpu.memory_space<semaphore_mem>>) src(%dma_wait3A_74 : memref<50176x96xf32, #tpu.memory_space<hbm>>) dst(%arg22 : memref<112x96xf32, #tpu.memory_space<vmem>>)
          %scan3A_75 = arith.constant 0 : i32
          %scan3A_76 = arith.constant 7 : i32
          %scan3A_77 = arith.addi %scan3A_75, %scan3A_76 : i32
          %scan3A_78 = arith.constant 1 : i32
          scf.for %scan3A_82 = %scan3A_75 to %scan3A_77 step %scan3A_78  : i32 {
            %mul3A_83 = arith.constant 1 : i32
            %mul3A_84 = arith.muli %scan3A_82, %mul3A_83 : i32
            %add3A_85 = arith.constant 0 : i32
            %add3A_86 = arith.addi %add3A_85, %mul3A_84 : i32
            %mul3A_87 = arith.constant 16 : i32
            %mul3A_88 = arith.muli %add3A_86, %mul3A_87 : i32
            %add3A_89 = vector.broadcast %mul3A_88 : i32 to vector<16xi32>
            %add3A_90 = arith.addi %add3A_89, %iota3A : vector<16xi32>
            %get3A = arith.index_cast %mul3A_88 : i32 to index
            %get3A_91 = tpu.vector_load %arg15[%get3A] {strides = array<i32>} : memref<112xf32, #tpu.memory_space<vmem>>, vector<16xf32>,
            %get3A_92 = arith.index_cast %mul3A_88 : i32 to index
            %get3A_93 = tpu.vector_load %arg16[%get3A_92] {strides = array<i32>} : memref<112xf32, #tpu.memory_space<vmem>>, vector<16xf32>,
            %get3A_94 = arith.index_cast %mul3A_88 : i32 to index
            %get3A_95 = tpu.vector_load %arg17[%get3A_94] {strides = array<i32>} : memref<112xf32, #tpu.memory_space<vmem>>, vector<16xf32>,
            %get3A_96 = arith.index_cast %mul3A_88 : i32 to index
            %get3A_97 = tpu.vector_load %arg18[%get3A_96] {strides = array<i32>} : memref<112xf32, #tpu.memory_space<vmem>>, vector<16xf32>,
            %scan3A_98 = arith.constant 0 : i32
            %scan3A_99 = arith.constant 96 : i32
            %scan3A_100 = arith.addi %scan3A_98, %scan3A_99 : i32
            %scan3A_101 = arith.constant 4 : i32
            scf.for %scan3A_103 = %scan3A_98 to %scan3A_100 step %scan3A_101  : i32 {
              %mul3A_104 = arith.constant 1 : i32
              %mul3A_105 = arith.muli %scan3A_103, %mul3A_104 : i32
              %add3A_106 = arith.constant 0 : i32
              %add3A_107 = arith.addi %add3A_106, %mul3A_105 : i32
              %broadcast_in_dim3A = vector.broadcast %add3A_107 : i32 to vector<16xi32>
              %gather3A = tpu.vector_load_idx %arg19[%add3A_90, %broadcast_in_dim3A] : memref<112x96xf32, #tpu.memory_space<vmem>>[vector<16xi32>, vector<16xi32>], vector<16xf32>,
              %gather3A_108 = tpu.vector_load_idx %arg20[%add3A_90, %broadcast_in_dim3A] : memref<112x96xf32, #tpu.memory_space<vmem>>[vector<16xi32>, vector<16xi32>], vector<16xf32>,
              %gather3A_109 = tpu.vector_load_idx %arg21[%add3A_90, %broadcast_in_dim3A] : memref<112x96xf32, #tpu.memory_space<vmem>>[vector<16xi32>, vector<16xi32>], vector<16xf32>,
              %gather3A_110 = tpu.vector_load_idx %arg22[%add3A_90, %broadcast_in_dim3A] : memref<112x96xf32, #tpu.memory_space<vmem>>[vector<16xi32>, vector<16xi32>], vector<16xf32>,
              %mul3A_111 = arith.mulf %gather3A, %get3A_91 : vector<16xf32>
              %mul3A_112 = arith.mulf %gather3A_108, %get3A_93 : vector<16xf32>
              %add3A_113 = arith.addf %mul3A_111, %mul3A_112 : vector<16xf32>
              %mul3A_114 = arith.mulf %gather3A_109, %get3A_95 : vector<16xf32>
              %add3A_115 = arith.addf %add3A_113, %mul3A_114 : vector<16xf32>
              %mul3A_116 = arith.mulf %gather3A_110, %get3A_97 : vector<16xf32>
              %add3A_117 = arith.addf %add3A_115, %mul3A_116 : vector<16xf32>
              %swap3A = arith.index_cast %add3A_107 : i32 to index
              %swap3A_118 = arith.index_cast %mul3A_88 : i32 to index
              %swap3A_119 = tpu.vector_load %arg23[%swap3A, %swap3A_118] {strides = array<i32>} : memref<96x112xf32, #tpu.memory_space<vmem>>, vector<16xf32>,
              tpu.vector_store %arg23[%swap3A, %swap3A_118], %add3A_117 {strides = array<i32>} : memref<96x112xf32, #tpu.memory_space<vmem>>, vector<16xf32>,
              %scan3A_120 = arith.constant 1 : i32
              %scan3A_121 = arith.addi %scan3A_103, %scan3A_120 : i32
              %mul3A_122 = arith.constant 1 : i32
              %mul3A_123 = arith.muli %scan3A_121, %mul3A_122 : i32
              %add3A_124 = arith.constant 0 : i32
              %add3A_125 = arith.addi %add3A_124, %mul3A_123 : i32
              %broadcast_in_dim3A_126 = vector.broadcast %add3A_125 : i32 to vector<16xi32>
              %gather3A_127 = tpu.vector_load_idx %arg19[%add3A_90, %broadcast_in_dim3A_126] : memref<112x96xf32, #tpu.memory_space<vmem>>[vector<16xi32>, vector<16xi32>], vector<16xf32>,
              %gather3A_128 = tpu.vector_load_idx %arg20[%add3A_90, %broadcast_in_dim3A_126] : memref<112x96xf32, #tpu.memory_space<vmem>>[vector<16xi32>, vector<16xi32>], vector<16xf32>,
              %gather3A_129 = tpu.vector_load_idx %arg21[%add3A_90, %broadcast_in_dim3A_126] : memref<112x96xf32, #tpu.memory_space<vmem>>[vector<16xi32>, vector<16xi32>], vector<16xf32>,
              %gather3A_130 = tpu.vector_load_idx %arg22[%add3A_90, %broadcast_in_dim3A_126] : memref<112x96xf32, #tpu.memory_space<vmem>>[vector<16xi32>, vector<16xi32>], vector<16xf32>,
              %mul3A_131 = arith.mulf %gather3A_127, %get3A_91 : vector<16xf32>
              %mul3A_132 = arith.mulf %gather3A_128, %get3A_93 : vector<16xf32>
              %add3A_133 = arith.addf %mul3A_131, %mul3A_132 : vector<16xf32>
              %mul3A_134 = arith.mulf %gather3A_129, %get3A_95 : vector<16xf32>
              %add3A_135 = arith.addf %add3A_133, %mul3A_134 : vector<16xf32>
              %mul3A_136 = arith.mulf %gather3A_130, %get3A_97 : vector<16xf32>
              %add3A_137 = arith.addf %add3A_135, %mul3A_136 : vector<16xf32>
              %swap3A_138 = arith.index_cast %add3A_125 : i32 to index
              %swap3A_139 = arith.index_cast %mul3A_88 : i32 to index
              %swap3A_140 = tpu.vector_load %arg23[%swap3A_138, %swap3A_139] {strides = array<i32>} : memref<96x112xf32, #tpu.memory_space<vmem>>, vector<16xf32>,
              tpu.vector_store %arg23[%swap3A_138, %swap3A_139], %add3A_137 {strides = array<i32>} : memref<96x112xf32, #tpu.memory_space<vmem>>, vector<16xf32>,
              %scan3A_141 = arith.constant 2 : i32
              %scan3A_142 = arith.addi %scan3A_103, %scan3A_141 : i32
              %mul3A_143 = arith.constant 1 : i32
              %mul3A_144 = arith.muli %scan3A_142, %mul3A_143 : i32
              %add3A_145 = arith.constant 0 : i32
              %add3A_146 = arith.addi %add3A_145, %mul3A_144 : i32
              %broadcast_in_dim3A_147 = vector.broadcast %add3A_146 : i32 to vector<16xi32>
              %gather3A_148 = tpu.vector_load_idx %arg19[%add3A_90, %broadcast_in_dim3A_147] : memref<112x96xf32, #tpu.memory_space<vmem>>[vector<16xi32>, vector<16xi32>], vector<16xf32>,
              %gather3A_149 = tpu.vector_load_idx %arg20[%add3A_90, %broadcast_in_dim3A_147] : memref<112x96xf32, #tpu.memory_space<vmem>>[vector<16xi32>, vector<16xi32>], vector<16xf32>,
              %gather3A_150 = tpu.vector_load_idx %arg21[%add3A_90, %broadcast_in_dim3A_147] : memref<112x96xf32, #tpu.memory_space<vmem>>[vector<16xi32>, vector<16xi32>], vector<16xf32>,
              %gather3A_151 = tpu.vector_load_idx %arg22[%add3A_90, %broadcast_in_dim3A_147] : memref<112x96xf32, #tpu.memory_space<vmem>>[vector<16xi32>, vector<16xi32>], vector<16xf32>,
              %mul3A_152 = arith.mulf %gather3A_148, %get3A_91 : vector<16xf32>
              %mul3A_153 = arith.mulf %gather3A_149, %get3A_93 : vector<16xf32>
              %add3A_154 = arith.addf %mul3A_152, %mul3A_153 : vector<16xf32>
              %mul3A_155 = arith.mulf %gather3A_150, %get3A_95 : vector<16xf32>
              %add3A_156 = arith.addf %add3A_154, %mul3A_155 : vector<16xf32>
              %mul3A_157 = arith.mulf %gather3A_151, %get3A_97 : vector<16xf32>
              %add3A_158 = arith.addf %add3A_156, %mul3A_157 : vector<16xf32>
              %swap3A_159 = arith.index_cast %add3A_146 : i32 to index
              %swap3A_160 = arith.index_cast %mul3A_88 : i32 to index
              %swap3A_161 = tpu.vector_load %arg23[%swap3A_159, %swap3A_160] {strides = array<i32>} : memref<96x112xf32, #tpu.memory_space<vmem>>, vector<16xf32>,
              tpu.vector_store %arg23[%swap3A_159, %swap3A_160], %add3A_158 {strides = array<i32>} : memref<96x112xf32, #tpu.memory_space<vmem>>, vector<16xf32>,
              %scan3A_162 = arith.constant 3 : i32
              %scan3A_163 = arith.addi %scan3A_103, %scan3A_162 : i32
              %mul3A_164 = arith.constant 1 : i32
              %mul3A_165 = arith.muli %scan3A_163, %mul3A_164 : i32
              %add3A_166 = arith.constant 0 : i32
              %add3A_167 = arith.addi %add3A_166, %mul3A_165 : i32
              %broadcast_in_dim3A_168 = vector.broadcast %add3A_167 : i32 to vector<16xi32>
              %gather3A_169 = tpu.vector_load_idx %arg19[%add3A_90, %broadcast_in_dim3A_168] : memref<112x96xf32, #tpu.memory_space<vmem>>[vector<16xi32>, vector<16xi32>], vector<16xf32>,
              %gather3A_170 = tpu.vector_load_idx %arg20[%add3A_90, %broadcast_in_dim3A_168] : memref<112x96xf32, #tpu.memory_space<vmem>>[vector<16xi32>, vector<16xi32>], vector<16xf32>,
              %gather3A_171 = tpu.vector_load_idx %arg21[%add3A_90, %broadcast_in_dim3A_168] : memref<112x96xf32, #tpu.memory_space<vmem>>[vector<16xi32>, vector<16xi32>], vector<16xf32>,
              %gather3A_172 = tpu.vector_load_idx %arg22[%add3A_90, %broadcast_in_dim3A_168] : memref<112x96xf32, #tpu.memory_space<vmem>>[vector<16xi32>, vector<16xi32>], vector<16xf32>,
              %mul3A_173 = arith.mulf %gather3A_169, %get3A_91 : vector<16xf32>
              %mul3A_174 = arith.mulf %gather3A_170, %get3A_93 : vector<16xf32>
              %add3A_175 = arith.addf %mul3A_173, %mul3A_174 : vector<16xf32>
              %mul3A_176 = arith.mulf %gather3A_171, %get3A_95 : vector<16xf32>
              %add3A_177 = arith.addf %add3A_175, %mul3A_176 : vector<16xf32>
              %mul3A_178 = arith.mulf %gather3A_172, %get3A_97 : vector<16xf32>
              %add3A_179 = arith.addf %add3A_177, %mul3A_178 : vector<16xf32>
              %swap3A_180 = arith.index_cast %add3A_167 : i32 to index
              %swap3A_181 = arith.index_cast %mul3A_88 : i32 to index
              %swap3A_182 = tpu.vector_load %arg23[%swap3A_180, %swap3A_181] {strides = array<i32>} : memref<96x112xf32, #tpu.memory_space<vmem>>, vector<16xf32>,
              tpu.vector_store %arg23[%swap3A_180, %swap3A_181], %add3A_179 {strides = array<i32>} : memref<96x112xf32, #tpu.memory_space<vmem>>, vector<16xf32>,
            }
            %scan3A_102 = arith.constant 96 : i32
          }
          %scan3A_79 = arith.constant 7 : i32
          %mul3A_80 = arith.constant 96 : i32
          %mul3A_81 = arith.muli %add3A_24, %mul3A_80 : i32
          "tpu.region"() ({
            %run_scoped3A = tpu.sem_alloc : memref<!tpu.dma_semaphore, #tpu.memory_space<semaphore_mem>>
            %dma_start3A_82 = tpu.memref_slice %arg6[%mul3A_81, %add3A_41] : memref<864x50176xf32, #tpu.memory_space<hbm>> -> memref<96x112xf32, #tpu.memory_space<hbm>>
            %dma_start3A_83 = tpu.memref_slice %arg6[%mul3A_81, %add3A_41] : memref<864x50176xf32, #tpu.memory_space<hbm>> -> memref<96x112xf32, #tpu.memory_space<hbm>>
            tpu.enqueue_dma source(%arg23 : memref<96x112xf32, #tpu.memory_space<vmem>>) target(%dma_start3A_83 : memref<96x112xf32, #tpu.memory_space<hbm>>) target_semaphore(%run_scoped3A : memref<!tpu.dma_semaphore, #tpu.memory_space<semaphore_mem>>)
            %dma_wait3A_84 = tpu.memref_slice %arg6[%mul3A_81, %add3A_41] : memref<864x50176xf32, #tpu.memory_space<hbm>> -> memref<96x112xf32, #tpu.memory_space<hbm>>
            %dma_wait3A_85 = tpu.memref_slice %arg6[%mul3A_81, %add3A_41] : memref<864x50176xf32, #tpu.memory_space<hbm>> -> memref<96x112xf32, #tpu.memory_space<hbm>>
            tpu.wait_dma2 semaphore(%run_scoped3A : memref<!tpu.dma_semaphore, #tpu.memory_space<semaphore_mem>>) src(%arg23 : memref<96x112xf32, #tpu.memory_space<vmem>>) dst(%dma_wait3A_85 : memref<96x112xf32, #tpu.memory_space<hbm>>)
            tpu.yield
          }) : () -> ()
        }
        %scan3A_33 = arith.constant 14 : i32
      }
      %scan3A_16 = arith.constant 3 : i32
    }
    %scan3A_6 = arith.constant 3 : i32
    return
  }
}

</mosaic_0001>

<sc_bundles>
// kernel: _deform_columns.3.cloned.1.call-start
scs
__scs_entry_jumppad:
0x0: {  	(pc) =	sbr.rel $0x88, $3  }
0x1: {  	(tag) =	ssettag $0x0;
	lr =	simm.s32 $0x1  }
0x2: {  	[smem:$0x3F9D] =	sst lr;
	_ =	strace $0xD0000000  }
0x3: {  	_ = 	snop  }
0x4: {  	_ = 	snop  }
0x5: {  	_ = 	snop  }
0x6: {  	_ = 	snop  }
0x7: {  	_ = 	snop  }
__scs_overlays_trampoline_lowered:
0x8: {  	[smem:$0x3FAC] =	sst s0  }
0x9: {  	[smem:$0x3FAD] =	sst s1  }
0xa: {  	[smem:$0x3FAE] =	sst s2  }
0xb: {  	[smem:$0x3FAF] =	sst s3  }
0xc: {  	[smem:$0x3FB0] =	sst s4  }
0xd: {  	[smem:$0x3FB1] =	sst s5  }
0xe: {  	[smem:$0x3FB2] =	sst s6  }
0xf: {  	[smem:$0x3FB3] =	sst s7  }
0x10: {  	[smem:$0x3FB4] =	sst s8  }
0x11: {  	[smem:$0x3FB5] =	sst s9;
	s0 =	simm.s32 @!p0 $0x0  }
0x12: {  	s1 =	sld [smem:$0x3F9B];
	s0 =	simm.s32 @p0 $0x1  }
0x13: {  	[smem:$0x3FB6] =	sst s0;
	s0 =	simm.s32 @!p1 $0x0  }
0x14: {  	s2 =	sld [smem:$0x3F9A];
	s0 =	simm.s32 @p1 $0x1  }
0x15: {  	[smem:$0x3FB7] =	sst s0;
	s0 =	simm.s32 @!p2 $0x0  }
0x16: {  	s3 =	sld [smem:$0x3FDB];
	s0 =	simm.s32 @p2 $0x1  }
0x17: {  	s4 =	simm.s32 $0x1BF5;
	[smem:$0x3FB9] =	sst s0  }
0x18: {  	s0 =	sld [smem:$0x3F9C];
	_ =	swait.ge [sflag:s4], $0x0  }
0x19: {  	s7 =	sld [smem:$0x3F9D]  }
0x1a: {  	s8 =	sadd.s32 $0xFFFFE003, lr  }
0x1b: {  	s9 =	sadd.s32 $0xFFFFFEF7, lr;
	s5 =	simm.s32 $0xFFFFFFFF;
	p2 =	slt.u32 s8, $0xFFFFF086  }
0x1c: {  	p1 =	slt.u32 s9, $0xF7A;
	s5 =	simm.s32 @!p2 $0x0  }
0x1d: {  	s5 =	simm.s32 @p1 $0x1;
	p0 =	seq.s32 s7, s2  }
0x1e: {  	s7 =	smul.u32 @!p0 $0xF7A, s2;
	p2 =	seq.s32 @!p0 s5, $0x0  }
0x1f: {  	s9 =	smul.u32 $0xF7A, s1;
	s8 =	simm.s32 @!p0 $0x1BF5;
	p2 =	por !p2, p0  }
0x20: {  	[sflag:s8] =	ssyncset.s32 @!p0 $0xFFFFF086;
	s6 =	sadd.s32 @!p0 s3, s7;
	s7 =	simm.s32 @!p0 $0x108  }
0x21: {  	s3 =	sadd.s32 s3, s9;
	s6 =	sadd.s32 @!p0 $0x88, s6;
	s7 =	simm.s32 @p2 $0x1082  }
0x22: {  	[simem:s7], [sflag:s8] =	dma.local @!p0 [hbm:s6], $0xF7A  }
0x23: {  	s9 =	sor.u32 $0xD0000000, s2;
	s6 =	simm.s32 $0x108;
	_ =	swait.ge @!p0 [sflag:s8], $0x0  }
0x24: {  	s3 =	sadd.s32 $0x88, s3;
	s6 =	simm.s32 @!p1 $0x1082;
	[sflag:s4] =	ssyncset.s32 $0xFFFFF086  }
0x25: {  	[simem:s6], [sflag:s4] =	dma.local [hbm:s3], $0xF7A  }
0x26: {  	[smem:$0x3F9D] =	sst s1;
	(tag) =	ssettag s2;
	_ =	strace s9  }
0x27: {  	s1 =	sld [smem:$0x3FAD]  }
0x28: {  	s2 =	sld [smem:$0x3FAE]  }
0x29: {  	s4 =	sld [smem:$0x3FB0]  }
0x2a: {  	p0 =	seq.s32 s5, $0x0;
	s5 =	sld [smem:$0x3FB1]  }
0x2b: {  	s6 =	sld [smem:$0x3FB2]  }
0x2c: {  	s7 =	sld [smem:$0x3FB3]  }
0x2d: {  	s3 =	simm.s32 $0x108;
	s8 =	sld [smem:$0x3FB4]  }
0x2e: {  	s3 =	simm.s32 @!p0 $0x1082;
	s9 =	sld [smem:$0x3FB5]  }
0x2f: {  	lr =	sadd.s32 s0, s3;
	s0 =	sld [smem:$0x3FAC]  }
0x30: {  	s3 =	sld [smem:$0x3FAF]  }
0x31: {  	[smem:$0x3FB8] =	sst s10  }
0x32: {  	s10 =	sld [smem:$0x3FB6];
	_ =	sdelay $0x3  }
0x33: {  	p0 =	seq.s32 s10, $0x1;
	s10 =	sld [smem:$0x3FB8];
	_ =	sdelay $0x3  }
0x34: {  	[smem:$0x3FB8] =	sst s10  }
0x35: {  	s10 =	sld [smem:$0x3FB7];
	_ =	sdelay $0x3  }
0x36: {  	p1 =	seq.s32 s10, $0x1;
	s10 =	sld [smem:$0x3FB8];
	_ =	sdelay $0x3  }
0x37: {  	[smem:$0x3FB8] =	sst s10  }
0x38: {  	s10 =	sld [smem:$0x3FB9]  }
0x39: {  	_ = 	snop;
	(pc) =	sbr.ind lr, $3  }
0x3a: {  	_ = 	snop  }
0x3b: {  	_ = 	snop  }
0x3c: {  	p2 =	seq.s32 s10, $0x1;
	s10 =	sld [smem:$0x3FB8]  }
0x3d: {  	_ =	shalt  }
0x3e: {  	_ =	shalt  }
0x3f: {  	_ =	shalt  }
0x40: {  	_ =	shalt  }
0x41: {  	_ =	shalt  }
0x42: {  	_ =	shalt  }
0x43: {  	_ =	shalt  }
0x44: {  	_ =	shalt  }
0x45: {  	_ =	shalt  }
0x46: {  	_ =	shalt  }
0x47: {  	_ =	shalt  }
0x48: {  	_ =	shalt  }
0x49: {  	_ =	shalt  }
0x4a: {  	_ =	shalt  }
0x4b: {  	_ =	shalt  }
0x4c: {  	_ =	shalt  }
0x4d: {  	_ =	shalt  }
0x4e: {  	_ =	shalt  }
0x4f: {  	_ =	shalt  }
0x50: {  	_ =	shalt  }
0x51: {  	_ =	shalt  }
0x52: {  	_ =	shalt  }
0x53: {  	_ =	shalt  }
0x54: {  	_ =	shalt  }
0x55: {  	_ =	shalt  }
0x56: {  	_ =	shalt  }
0x57: {  	_ =	shalt  }
0x58: {  	_ =	shalt  }
0x59: {  	_ =	shalt  }
0x5a: {  	_ =	shalt  }
0x5b: {  	_ =	shalt  }
0x5c: {  	_ =	shalt  }
0x5d: {  	_ =	shalt  }
0x5e: {  	_ =	shalt  }
0x5f: {  	_ =	shalt  }
0x60: {  	_ =	shalt  }
0x61: {  	_ =	shalt  }
0x62: {  	_ =	shalt  }
0x63: {  	_ =	shalt  }
0x64: {  	_ =	shalt  }
0x65: {  	_ =	shalt  }
0x66: {  	_ =	shalt  }
0x67: {  	_ =	shalt  }
0x68: {  	_ =	shalt  }
0x69: {  	_ =	shalt  }
0x6a: {  	_ =	shalt  }
0x6b: {  	_ =	shalt  }
0x6c: {  	_ =	shalt  }
0x6d: {  	_ =	shalt  }
0x6e: {  	_ =	shalt  }
0x6f: {  	_ =	shalt  }
0x70: {  	_ =	shalt  }
0x71: {  	_ =	shalt  }
0x72: {  	_ =	shalt  }
0x73: {  	_ =	shalt  }
0x74: {  	_ =	shalt  }
0x75: {  	_ =	shalt  }
0x76: {  	_ =	shalt  }
0x77: {  	_ =	shalt  }
0x78: {  	_ =	shalt  }
0x79: {  	_ =	shalt  }
0x7a: {  	_ =	shalt  }
0x7b: {  	_ =	shalt  }
0x7c: {  	_ =	shalt  }
0x7d: {  	_ =	shalt  }
0x7e: {  	_ =	shalt  }
0x7f: {  	_ =	shalt  }
0x80: {  	_ =	shalt  }
0x81: {  	_ =	shalt  }
0x82: {  	_ =	shalt  }
0x83: {  	_ =	shalt  }
0x84: {  	_ =	shalt  }
0x85: {  	_ =	shalt  }
0x86: {  	_ =	shalt  }
0x87: {  	_ =	shalt  }
.Lfunc_end0:
.L_simem_size_0:
called_computation_lowered:
.L_overlay_start_0:
0x88: {  	s2 =	sld [smem:$0x3FD9]  }
0x89: {  	s3 =	sld [smem:$0x3FFE];
	_ =	sdelay $0x1  }
0x8a: {  	s1 =	srdreg.scid  }
0x8b: {  	s0 =	sand.u32 $0x1, s1  }
0x8c: {  	s17 =	sshll.u32 s0, $0xA;
	s2 =	sadd.s32 s3, s2  }
0x8d: {  	s2 =	sadd.s32 s2, s17  }
0x8e: {  	[smem:$0x3FC4] =	sst s2  }
0x8f: {  	_ = 	snop  }
0x90: {  	s2 =	sld [smem:$0x3FC7]  }
0x91: {  	s18 =	sld [smem:$0x3FC6]  }
0x92: {  	s4 =	sld [smem:$0x3FD0];
	(tm) =	ssettm $0x1  }
0x93: {  	s5 =	sld [smem:$0x3FFB];
	_ =	sdelay $0x3  }
0x94: {  	_ =	strace s5  }
0x95: {  	s5 =	sld [smem:$0x3FFC];
	_ =	sdelay $0x3  }
0x96: {  	_ =	strace s5  }
0x97: {  	s5 =	sld [smem:$0x3FFD];
	_ =	sdelay $0x3  }
0x98: {  	_ =	strace s5  }
0x99: {  	_ =	strace $0x8FFFFFFF  }
0x9a: {  	s19 =	sld [smem:$0x3FDB];
	_ =	sdelay $0x1  }
0x9b: {  	s6 =	simm.s32 $_scs_section_size  }
0x9c: {  	s7 =	simm.s32 $_size__tile_overlayer_lowered;
	s8 =	simm.s32 $_tile_overlayer_lowered  }
0x9d: {  	s22 =	simm.s32 $0x1BFF;
	s21 =	sshll.u32 s8, $0x1;
	s5 =	sadd.s32 s6, s19  }
0x9e: {  	s9 =	simm.s32 $0x0;
	s20 =	sshll.u32 s7, $0x1;
	s7 =	sadd.s32 s21, s5  }
0x9f: {  	[timem:s9], [sflag:s22] =	dma.local [hbm:s7], s20  }
0xa0: {  	_ =	swait.ge [sflag:s22], s20  }
0xa1: {  	s6 =	ssub.s32 $0x0, s20;
	[sflag:s22] =	ssyncset.done $0x0  }
0xa2: {  	[sflag:s22] =	ssyncadd.s32 s6;
	_ =	sdelay $0x1  }
0xa3: {  	s23 =	simm.s32 $0x1B8B  }
0xa4: {  	_ =	swait.ge [sflag:s23], $0x1  }
0xa5: {  	[sflag:s23] =	ssyncset.done $0x0  }
0xa6: {  	s25 =	simm.s32 $0x1B8E;
	s24 =	sld [smem:$0x3FFE];
	[sflag:s23] =	ssyncadd.s32 $0xFFFFFFFF  }
0xa7: {  	s26 =	simm.s32 $execute0_lowered;
	[smem:$0x3FD2] =	sst s25  }
0xa8: {  	s7 =	sshll.u32 s26, $0x1;
	_ =	strace $0x80000046;
	[dreg:$0x1] =	wrdreg $0xFFFFFFFF  }
0xa9: {  	s28 =	simm.s32 $_size_execute0_lowered;
	s5 =	sadd.s32 s5, s7;
	[dreg:$0x0] =	wrdreg $0x0  }
0xaa: {  	s7 =	sshll.u32 s28, $0x1;
	[dreg:$0x2] =	wrdreg s5  }
0xab: {  	[dreg:$0x3] =	wrdreg s7  }
0xac: {  	[dreg:$0x4] =	wrdreg $0xC0  }
0xad: {  	_ =	task [dreg:s9], $0x5FFFF  }
0xae: {  	[dreg:$0x1] =	wrdreg $0xFFFFFFFF  }
0xaf: {  	[dreg:$0x0] =	wrdreg $0x60  }
0xb0: {  	[dreg:$0x2] =	wrdreg s4  }
0xb1: {  	[dreg:$0x3] =	wrdreg s24  }
0xb2: {  	[dreg:$0x4] =	wrdreg s2  }
0xb3: {  	[dreg:$0x5] =	wrdreg s18  }
0xb4: {  	[dreg:$0x6] =	wrdreg $0x9  }
0xb5: {  	_ =	task.clear_ibuf [dreg:s9], $0x7FFFF;
	_ =	strace $0x90000046  }
0xb6: {  	s29 =	simm.s32 $0x9;
	_ =	strace $0x80000048  }
0xb7: {  	_ =	swait.ge [sflag:s29], $0x1  }
0xb8: {  	[sflag:s29] =	ssyncadd.s32 $0xFFFFFFFF  }
0xb9: {  	_ =	strace $0x90000048  }
0xba: {  	_ =	sfence  }
0xbb: {  	s30 =	sld [smem:$0x0];
	_ =	sdelay $0x2  }
0xbc: {  	s31 =	sshll.u32 s1, $0xD;
	s1 =	sshrl.u32 s1, $0x2  }
0xbd: {  	s3 =	sand.u32 $0x4000, s31;
	s1 =	sadd.s32 s1, s30  }
0xbe: {  	s0 =	sor.u32 s3, s0;
	s1 =	sshll.u32 s1, $0x11  }
0xbf: {  	s0 =	sor.u32 s1, s0  }
0xc0: {  	s0 =	sadd.s32 $0x8F2B, s0  }
0xc1: {  	[sflag:s0] =	ssyncadd.remote.s32 $0x1  }
0xc2: {  	_ =	sfence.sel $0xFFFF  }
0xc3: {  	[dreg:$0x0] =	wrdreg $0xFFFFFFFF;
	(pc) =	sbr.abs _section_cstart, $3  }
0xc4: {  	[dreg:$0x1] =	wrdreg $0xFFFFFFFF  }
0xc5: {  	_ =	task.clear_ibuf [dreg:s9], $0x2FFFF;
	_ =	strace $0x9FFFFFFF  }
0xc6: {  	(tm) =	ssettm $0x7FFFFFFF  }
0xc7: {  	_ =	shalt  }
tec
execute0_lowered:
.L_overlay_start_1:
0x0: {  	(tag) =	ssettag $0x1  }
0x1: {  	s1 =	rddreg [dreg:$0x0]  }
0x2: {  	s0 =	rddreg [dreg:$0x1];
	s2 =	srdreg.scid;
	s9 =	simm.s32 $0x0  }
0x3: {  	s5 =	stileid.u32;
	s10 =	simm.s32 $0x2;
	s11 =	simm.s32 $0x70  }
0x4: {  	s14 =	simm.s32 $0x1C0;
	s15 =	simm.s32 $0x540;
	s16 =	simm.s32 $0x230  }
0x5: {  	s17 =	simm.s32 $0x2F40;
	s18 =	simm.s32 $0x2A0;
	s19 =	simm.s32 $0x5940  }
0x6: {  	s20 =	simm.s32 $0x310;
	s21 =	simm.s32 $0x8340;
	s2 =	sand.u32 $0x1, s2  }
0x7: {  	s22 =	simm.s32 $0x1;
	s23 =	simm.s32 $0xC400;
	s3 =	ssub.s32 $0x2, s2  }
0x8: {  	s24 =	simm.s32 $0xAD40;
	[smem:$0x7FF] =	sst s9;
	s4 =	sshrl.u32 s3, $0x1  }
0x9: {  	s5 =	sshll.u32 s5, $0x1;
	s6 =	sadd.s32 $0x400, s0;
	s3 =	ssub.s32 s3, s4  }
0xa: {  	v0 =	vlaneseq.u32;
	s7 =	sadd.s32 $0x1BE00, s0;
	s2 =	sor.u32 s2, s5;
	s31 =	smax.u32 s3, $0x1  }
0xb: {  	v0 =	vmul.u32 $0x60, v0;
	_ =	strace $0x80000047;
	s8 =	smul.u32 $0x620, s2;
	[dreg:$0x6] =	wrdreg s31  }
.LBB2_1:
0xc: {  	[dreg:$0x5] =	wrdreg s9;
	s2 =	simm.s32 $0x0  }
.LBB2_2:
0xd: {  	s0 =	sadd.s32 $0xFFFFFFFF, s2  }
0xe: {  	s31 =	smul.u32 $0x3, s2;
	s0 =	scvt.s32.f32 s0  }
0xf: {  	[dreg:$0x7] =	wrdreg s2  }
0x10: {  	s2 =	simm.s32 $0x0;
	[dreg:$0x8] =	wrdreg s31;
	v1 =	vmov s0  }
.LBB2_3:
0x11: {  	s0 =	rddreg [dreg:$0x8]  }
0x12: {  	[dreg:$0x9] =	wrdreg s2;
	s28 =	sadd.s32 $0xFFFFFFFF, s2;
	s0 =	sadd.s32 s0, s2  }
0x13: {  	s2 =	scvt.s32.f32 s28;
	s29 =	smul.u32 $0x18800, s0  }
0x14: {  	_ = 	snop  }
0x15: {  	s31 =	smul.u32 $0x498000, s0;
	s0 =	simm.s32 $0x0;
	v2 =	vmov s2;
	s30 =	sadd.s32 $0xC400, s29  }
.LBB2_4:
0x16: {  	s2 =	smul.u32 $0x70, s0;
	_ =	sdelay $0x1  }
0x17: {  	s4 =	sadd.s32 s8, s2  }
0x18: {  	s2 =	sadd.s32 s29, s4  }
0x19: {  	s2 =	sshrl.u32 s2, $0x3  }
0x1a: {  	s3 =	simm.s32 $0x0;
	s2 =	sadd.s32 s6, s2  }
0x1b: {  	[tilespmem:s3], [sflag:$0x2] =	stream.linear.gather [hbm4b:s2+s3], $0x70, $0x38;
	[tilespmem:$0xD740] =	vst v63  }
0x1c: {  	s13 =	sadd.s32 s30, s4;
	_ =	swait.ge [sflag:s10], $0x70  }
0x1d: {  	s2 =	sshrl.u32 s13, $0x3;
	[sflag:s10] =	ssyncset.done $0x0  }
0x1e: {  	s2 =	sadd.s32 s6, s2;
	[sflag:s10] =	ssyncadd.s32 $0xFFFFFF90  }
0x1f: {  	[tilespmem:s11], [sflag:$0x2] =	stream.linear.gather [hbm4b:s2+s3], $0x70, $0x38;
	[tilespmem:$0xD740] =	vst v63  }
0x20: {  	_ =	swait.ge [sflag:s10], $0x70  }
0x21: {  	[sflag:s10] =	ssyncset.done $0x0  }
0x22: {  	[sflag:s10] =	ssyncadd.s32 $0xFFFFFF90  }
0x23: {  	s25 =	sshrl.u32 s4, $0x3;
	s5 =	rddreg [dreg:$0x2]  }
0x24: {  	s9 =	simm.s32 $0xE0;
	s5 =	sadd.s32 s5, s25  }
0x25: {  	[tilespmem:s9], [sflag:$0x2] =	stream.linear.gather [hbm4b:s5+s3], $0x70, $0x38;
	[tilespmem:$0xD740] =	vst v63  }
0x26: {  	_ =	swait.ge [sflag:s10], $0x70  }
0x27: {  	[sflag:s10] =	ssyncset.done $0x0  }
0x28: {  	[sflag:s10] =	ssyncadd.s32 $0xFFFFFF90  }
0x29: {  	s26 =	rddreg [dreg:$0x3]  }
0x2a: {  	s28 =	simm.s32 $0x150;
	s2 =	sadd.s32 s26, s25  }
0x2b: {  	[tilespmem:s28], [sflag:$0x2] =	stream.linear.gather [hbm4b:s2+s3], $0x70, $0x38;
	[tilespmem:$0xD740] =	vst v63  }
0x2c: {  	_ =	swait.ge [sflag:s10], $0x70  }
0x2d: {  	[sflag:s10] =	ssyncset.done $0x0  }
0x2e: {  	s9 =	simm.s32 $0x0;
	[sflag:s10] =	ssyncadd.s32 $0xFFFFFF90  }
0x2f: {  	v3 =	vld [tilespmem:s9+$0x150]  }
0x30: {  	v4 =	vld [tilespmem:s9+$0xE0]  }
0x31: {  	v5 =	vld [tilespmem:s9+$0x0]  }
0x32: {  	v6 =	vld [tilespmem:s9+$0x70];
	_ =	sdelay $0x3  }
0x33: {  	v4 =	vadd.f32 v5, v4  }
0x34: {  	v3 =	vadd.f32 v6, v3  }
0x35: {  	v4 =	vadd.f32 v4, v1  }
0x36: {  	v3 =	vadd.f32 v3, v2  }
0x37: {  	v5 =	vtrunc.f32 v4  }
0x38: {  	v6 =	vtrunc.f32 v3;
	v5 =	vcvt.f32.s32 v5  }
0x39: {  	v6 =	vcvt.f32.s32 v6  }
0x3a: {  	v5 =	vcvt.s32.f32 v5  }
0x3b: {  	v6 =	vcvt.s32.f32 v6  }
0x3c: {  	v7 =	vadd.f32 $-1.000000000e+00, v5  }
0x3d: {  	s5 =	simm.s32 $0x10;
	vm0 =	vlt.f32 v4, v5;
	v8 =	vadd.f32 $-1.000000000e+00, v6  }
0x3e: {  	vm12 =	vlt.f32 v3, v6;
	v5 =	vsel vm0, v7, v5;
	v7 =	vld [tilespmem:s5+$0xE0]  }
0x3f: {  	v6 =	vsel vm12, v8, v6;
	v8 =	vld [tilespmem:s5+$0x150];
	v9 =	vtrunc.f32 v5;
	v4 =	vsub.f32 v4, v5  }
0x40: {  	v5 =	vld [tilespmem:s5+$0x0];
	v10 =	vtrunc.f32 v6;
	v6 =	vsub.f32 v3, v6;
	v9 =	vcvt.f32.s32 v9  }
0x41: {  	v3 =	vld [tilespmem:s5+$0x70];
	v10 =	vcvt.f32.s32 v10  }
0x42: {  	v11 =	vsub.f32 $1.000000000e+00, v4;
	v12 =	vsub.f32 $1.000000000e+00, v6;
	vm1 =	vlt.u32 v9, $0xE0  }
0x43: {  	v13 =	vmul.u32 $0xE0, v9;
	v14 =	vadd.s32 $0x1, v10;
	v9 =	vadd.s32 $0x1, v9  }
0x44: {  	vm4 =	vlt.u32 v10, $0xE0;
	vm2 =	vlt.u32 v14, $0xE0;
	vm3 =	vlt.u32 v9, $0xE0  }
0x45: {  	v5 =	vadd.f32 v5, v7;
	v7 =	vmul.f32 v6, v11;
	v9 =	vadd.s32 $0xE0, v13  }
0x46: {  	vm13 =	vmand vm3, vm2;
	v3 =	vadd.f32 v3, v8;
	v8 =	vmul.f32 v12, v11  }
0x47: {  	vm3 =	vmand vm3, vm4;
	vm4 =	vmand vm1, vm4;
	v5 =	vadd.f32 v5, v1  }
0x48: {  	vm1 =	vmand vm1, vm2;
	v15 =	vadd.s32 v9, v14;
	v3 =	vadd.f32 v3, v2  }
0x49: {  	v9 =	vadd.s32 v10, v9;
	v11 =	vnsel vm13, $0x0, v15;
	v61 =	vtrunc.f32 v5  }
0x4a: {  	v9 =	vnsel vm3, $0x0, v9;
	[tilespmem:s9+$0x310] =	vst v11;
	v11 =	vtrunc.f32 v3;
	v15 =	vcvt.f32.s32 v61  }
0x4b: {  	v10 =	vadd.s32 v10, v13;
	[tilespmem:s9+$0x2A0] =	vst v9;
	v9 =	vmul.f32 v12, v4;
	v11 =	vcvt.f32.s32 v11  }
0x4c: {  	v10 =	vnsel vm4, $0x0, v10;
	v4 =	vmul.f32 v6, v4;
	v62 =	vcvt.s32.f32 v15  }
0x4d: {  	v6 =	vnsel vm4, $0x0, v8;
	v8 =	vadd.s32 v13, v14;
	v11 =	vcvt.s32.f32 v11  }
0x4e: {  	v63 =	vnsel vm1, $0x0, v7;
	[tilespmem:s9+$0x1C0] =	vst v10;
	v8 =	vnsel vm1, $0x0, v8;
	v10 =	vadd.f32 $-1.000000000e+00, v62  }
0x4f: {  	s25 =	simm.s32 $0x20;
	[tilespmem:s9+$0x380] =	vst v6;
	v7 =	vnsel vm3, $0x0, v9;
	vm14 =	vlt.f32 v5, v62;
	v9 =	vadd.f32 $-1.000000000e+00, v11  }
0x50: {  	v6 =	vld [tilespmem:s25+$0x150];
	[tilespmem:s9+$0x230] =	vst v8;
	v4 =	vnsel vm13, $0x0, v4;
	vm15 =	vlt.f32 v3, v11;
	v12 =	vsel vm14, v10, v62  }
0x51: {  	s2 =	simm.s32 $0xC0;
	v8 =	vld [tilespmem:s25+$0xE0];
	[tilespmem:s9+$0x3F0] =	vst v63;
	v9 =	vsel vm15, v9, v11;
	v10 =	vtrunc.f32 v12;
	v5 =	vsub.f32 v5, v12  }
.LBB2_5:
0x52: {  	p0 =	sne.s32 s2, $0x180;
	v11 =	vld [tilespmem:s25+$0x0];
	v10 =	vcvt.f32.s32 v10;
	v12 =	vtrunc.f32 v9;
	v9 =	vsub.f32 v3, v9;
	[tilespmem:s9+$0x460] =	vst v7  }
0x53: {  	v3 =	vld [tilespmem:s25+$0x70];
	v7 =	vcvt.f32.s32 v12;
	v12 =	vsub.f32 $1.000000000e+00, v5;
	[tilespmem:s9+$0x4D0] =	vst v4;
	s9 =	smov.u32 s5;
	s5 =	smov.u32 s25  }
0x54: {  	v4 =	vsub.f32 $1.000000000e+00, v9;
	vm1 =	vlt.u32 v10, $0xE0;
	v13 =	vmul.u32 $0xE0, v10  }
0x55: {  	v10 =	vadd.s32 $0x1, v10;
	v14 =	vadd.s32 $0x1, v7;
	v15 =	vmul.f32 v9, v12  }
0x56: {  	vm3 =	vlt.u32 v10, $0xE0;
	vm2 =	vlt.u32 v14, $0xE0;
	v10 =	vadd.s32 $0xE0, v13  }
0x57: {  	v8 =	vadd.f32 v11, v8;
	vm0 =	vmand vm3, vm2;
	v11 =	vadd.s32 v10, v14  }
0x58: {  	v3 =	vadd.f32 v3, v6;
	v6 =	vmul.f32 v4, v12;
	v11 =	vnsel vm0, $0x0, v11  }
0x59: {  	vm4 =	vlt.u32 v7, $0xE0;
	v4 =	vmul.f32 v4, v5;
	v12 =	vadd.f32 v8, v1;
	[tilespmem:s9+$0x310] =	vst v11  }
0x5a: {  	v5 =	vmul.f32 v9, v5;
	v8 =	vadd.s32 v7, v10;
	v3 =	vadd.f32 v3, v2  }
0x5b: {  	vm2 =	vmand vm1, vm2;
	v7 =	vadd.s32 v7, v13;
	v9 =	vtrunc.f32 v12  }
0x5c: {  	v11 =	vadd.s32 v13, v14;
	v9 =	vcvt.f32.s32 v9;
	v10 =	vtrunc.f32 v3  }
0x5d: {  	vm1 =	vmand vm1, vm4;
	vm3 =	vmand vm3, vm4;
	v10 =	vcvt.f32.s32 v10  }
0x5e: {  	v7 =	vnsel vm1, $0x0, v7;
	v8 =	vnsel vm3, $0x0, v8;
	v9 =	vcvt.s32.f32 v9  }
.Ltmp0:
0x5f: {  	v6 =	vnsel vm1, $0x0, v6;
	v13 =	vcvt.s32.f32 v10;
	v10 =	vnsel vm2, $0x0, v11;
	[tilespmem:s9+$0x2A0] =	vst v8;
	(pc) =	sbr.rel @p0 .LBB2_5-.Ltmp0, $4  }
0x60: {  	v11 =	vnsel vm2, $0x0, v15;
	v8 =	vadd.f32 $-1.000000000e+00, v9;
	[tilespmem:s9+$0x1C0] =	vst v7;
	v7 =	vnsel vm3, $0x0, v4  }
0x61: {  	s25 =	sshra.s32 s2, $0x2;
	vm1 =	vlt.f32 v12, v9;
	v4 =	vnsel vm0, $0x0, v5;
	v14 =	vadd.f32 $-1.000000000e+00, v13;
	[tilespmem:s9+$0x380] =	vst v6  }
0x62: {  	vm0 =	vlt.f32 v3, v13;
	v6 =	vld [tilespmem:s25+$0x150];
	v5 =	vsel vm1, v8, v9;
	[tilespmem:s9+$0x230] =	vst v10  }
0x63: {  	s2 =	sadd.s32 $0x40, s2;
	v8 =	vld [tilespmem:s25+$0xE0];
	v10 =	vtrunc.f32 v5;
	v9 =	vsel vm0, v14, v13;
	v5 =	vsub.f32 v12, v5;
	[tilespmem:s9+$0x3F0] =	vst v11  }
0x64: {  	v11 =	vld [tilespmem:s25+$0x0]  }
0x65: {  	[tilespmem:s9+$0x460] =	vst v7;
	v10 =	vcvt.f32.s32 v10;
	v3 =	vsub.f32 v3, v9  }
0x66: {  	v7 =	vld [tilespmem:s25+$0x70];
	v12 =	vsub.f32 $1.000000000e+00, v5  }
0x67: {  	v38 =	vtrunc.f32 v9;
	v13 =	vsub.f32 $1.000000000e+00, v3;
	vm0 =	vlt.u32 v10, $0xE0  }
0x68: {  	v14 =	vmul.u32 $0xE0, v10;
	v10 =	vadd.s32 $0x1, v10;
	v41 =	vmul.f32 v3, v12  }
0x69: {  	vm2 =	vlt.u32 v10, $0xE0;
	v8 =	vadd.f32 v11, v8;
	v11 =	vcvt.f32.s32 v38  }
0x6a: {  	v3 =	vmul.f32 v3, v5;
	v16 =	vadd.s32 $0xE0, v14;
	v12 =	vmul.f32 v13, v12  }
0x6b: {  	v13 =	vmul.f32 v13, v5;
	v6 =	vadd.f32 v7, v6;
	v15 =	vadd.s32 $0x1, v11  }
0x6c: {  	v8 =	vadd.f32 v8, v1;
	vm4 =	vlt.u32 v11, $0xE0;
	vm1 =	vlt.u32 v15, $0xE0  }
0x6d: {  	v6 =	vadd.f32 v6, v2;
	v45 =	vadd.s32 v16, v15;
	v16 =	vadd.s32 v11, v16  }
0x6e: {  	v15 =	vadd.s32 v14, v15;
	v14 =	vadd.s32 v11, v14;
	v39 =	vtrunc.f32 v8  }
0x6f: {  	vm9 =	vmand vm2, vm1;
	v9 =	vcvt.f32.s32 v39;
	v43 =	vtrunc.f32 v6  }
0x70: {  	vm1 =	vmand vm0, vm1;
	vm0 =	vmand vm0, vm4;
	v44 =	vcvt.f32.s32 v43  }
0x71: {  	vm2 =	vmand vm2, vm4;
	v10 =	vnsel vm9, $0x0, v45;
	v40 =	vcvt.s32.f32 v9  }
0x72: {  	v46 =	vnsel vm0, $0x0, v14;
	v16 =	vnsel vm2, $0x0, v16;
	v5 =	vcvt.s32.f32 v44  }
0x73: {  	v12 =	vnsel vm0, $0x0, v12;
	v48 =	vnsel vm1, $0x0, v15;
	v42 =	vadd.f32 $-1.000000000e+00, v40  }
0x74: {  	v13 =	vnsel vm2, $0x0, v13;
	vm3 =	vlt.f32 v8, v40;
	v47 =	vadd.f32 $-1.000000000e+00, v5  }
0x75: {  	[tilespmem:s9+$0x4D0] =	vst v4;
	v3 =	vnsel vm9, $0x0, v3;
	vm10 =	vlt.f32 v6, v5;
	v7 =	vsel vm3, v42, v40  }
0x76: {  	[tilespmem:s5+$0x310] =	vst v10;
	v5 =	vsel vm10, v47, v5;
	v49 =	vtrunc.f32 v7;
	v7 =	vsub.f32 v8, v7  }
0x77: {  	[tilespmem:s5+$0x2A0] =	vst v16;
	v50 =	vtrunc.f32 v5;
	v10 =	vcvt.f32.s32 v49;
	v5 =	vsub.f32 v6, v5  }
0x78: {  	[tilespmem:s5+$0x1C0] =	vst v46;
	v9 =	vnsel vm1, $0x0, v41;
	v8 =	vcvt.f32.s32 v50;
	v51 =	vsub.f32 $1.000000000e+00, v7  }
0x79: {  	[tilespmem:s5+$0x380] =	vst v12;
	v52 =	vmul.u32 $0xE0, v10;
	v54 =	vadd.s32 $0x1, v10;
	v55 =	vsub.f32 $1.000000000e+00, v5  }
0x7a: {  	[tilespmem:s5+$0x230] =	vst v48;
	vm13 =	vlt.u32 v10, $0xE0;
	v53 =	vadd.s32 $0x1, v8;
	vm12 =	vlt.u32 v54, $0xE0  }
0x7b: {  	[tilespmem:s5+$0x460] =	vst v13;
	vm15 =	vlt.u32 v8, $0xE0;
	vm11 =	vlt.u32 v53, $0xE0;
	v56 =	vadd.s32 $0xE0, v52  }
0x7c: {  	[tilespmem:s5+$0x4D0] =	vst v3;
	v58 =	vmul.f32 v55, v51;
	vm14 =	vmand vm12, vm11;
	v57 =	vadd.s32 v56, v53  }
0x7d: {  	[tilespmem:s5+$0x3F0] =	vst v9;
	vm1 =	vmand vm12, vm15;
	v9 =	vadd.s32 v8, v56;
	v3 =	vnsel vm14, $0x0, v57  }
0x7e: {  	vm4 =	vmand vm13, vm15;
	v59 =	vnsel vm1, $0x0, v9;
	[tilespmem:s25+$0x310] =	vst v3  }
0x7f: {  	v60 =	vadd.s32 v52, v53;
	vm0 =	vmand vm13, vm11;
	v61 =	vnsel vm4, $0x0, v58;
	[tilespmem:s25+$0x2A0] =	vst v59  }
0x80: {  	v6 =	vmul.f32 v5, v51;
	v62 =	vnsel vm0, $0x0, v60;
	v3 =	vadd.s32 v8, v52;
	[tilespmem:s25+$0x380] =	vst v61  }
0x81: {  	v5 =	vmul.f32 v5, v7;
	[tilespmem:s25+$0x230] =	vst v62;
	v3 =	vnsel vm4, $0x0, v3  }
0x82: {  	v6 =	vnsel vm0, $0x0, v6;
	[tilespmem:s25+$0x1C0] =	vst v3;
	v3 =	vmul.f32 v55, v7  }
0x83: {  	v63 =	vnsel vm14, $0x0, v5;
	[tilespmem:s25+$0x3F0] =	vst v6  }
0x84: {  	[tilespmem:s25+$0x4D0] =	vst v63;
	v3 =	vnsel vm1, $0x0, v3  }
0x85: {  	[tilespmem:s25+$0x460] =	vst v3  }
0x86: {  	[tilespmem:s15], [sflag:$0x1] =	stream.indirect.gather [hbm4b:s1+s11], $0x60, s14, s11, $0xb8;
	[tilespmem:$0xD740] =	vst v63  }
0x87: {  	_ = 	snop  }
0x88: {  	[tilespmem:s17], [sflag:$0x1] =	stream.indirect.gather [hbm4b:s1+s11], $0x60, s16, s11, $0xb8;
	[tilespmem:$0xD740] =	vst v63  }
0x89: {  	_ = 	snop  }
0x8a: {  	[tilespmem:s19], [sflag:$0x1] =	stream.indirect.gather [hbm4b:s1+s11], $0x60, s18, s11, $0xb8;
	[tilespmem:$0xD740] =	vst v63  }
0x8b: {  	_ = 	snop  }
0x8c: {  	[tilespmem:s21], [sflag:$0x1] =	stream.indirect.gather [hbm4b:s1+s11], $0x60, s20, s11, $0xb8;
	[tilespmem:$0xD740] =	vst v63  }
0x8d: {  	_ =	swait.ge [sflag:s22], $0x2A00  }
0x8e: {  	[sflag:s22] =	ssyncset.done $0x0  }
0x8f: {  	[sflag:s22] =	ssyncadd.s32 $0xFFFFD600  }
0x90: {  	_ =	swait.ge [sflag:s22], $0x2A00  }
0x91: {  	[sflag:s22] =	ssyncset.done $0x0  }
0x92: {  	[sflag:s22] =	ssyncadd.s32 $0xFFFFD600  }
0x93: {  	_ =	swait.ge [sflag:s22], $0x2A00  }
0x94: {  	[sflag:s22] =	ssyncset.done $0x0  }
0x95: {  	[sflag:s22] =	ssyncadd.s32 $0xFFFFD600  }
0x96: {  	_ =	swait.ge [sflag:s22], $0x2A00  }
0x97: {  	s2 =	simm.s32 $0xAE20;
	[sflag:s22] =	ssyncset.done $0x0  }
0x98: {  	s9 =	simm.s32 $0x0;
	s25 =	simm.s32 $0x0;
	[sflag:s22] =	ssyncadd.s32 $0xFFFFD600  }
.LBB2_7:
0x99: {  	s3 =	sshll.u32 s25, $0x4  }
0x9a: {  	v3 =	vmov s3  }
0x9b: {  	v3 =	vmul.u32 $0x60, v3;
	_ =	sdelay $0x1  }
0x9c: {  	v3 =	vbroadcast v3, $0x0  }
0x9d: {  	v4 =	vmov s9  }
0x9e: {  	v7 =	vadd.s32 v0, v3;
	v3 =	vand.u32 $0x78, v4  }
0x9f: {  	v4 =	vand.u32 $0x4, v4;
	v3 =	vadd.s32 v7, v3  }
0xa0: {  	v8 =	vor.u32 v4, v3;
	_ =	sdelay $0x2  }
0xa1: {  	v3 =	vld [tilespmem:s3+$0x380]  }
0xa2: {  	v4 =	vld [tilespmem:s3+$0x3F0]  }
0xa3: {  	v9 =	vld.idx.msk [tilespmem:v8+s15+$0x0], $0xffff  }
0xa4: {  	v10 =	vld.idx.msk [tilespmem:v8+s17+$0x0], $0xffff  }
0xa5: {  	v5 =	vld [tilespmem:s3+$0x460]  }
0xa6: {  	v11 =	vld.idx.msk [tilespmem:v8+s19+$0x0], $0xffff  }
0xa7: {  	v6 =	vld [tilespmem:s3+$0x4D0]  }
0xa8: {  	v8 =	vld.idx.msk [tilespmem:v8+s21+$0x0], $0xffff  }
0xa9: {  	s12 =	simm.s32 $0x1;
	v9 =	vmul.f32 v9, v3;
	v10 =	vmul.f32 v10, v4  }
0xaa: {  	v12 =	vmov s12  }
0xab: {  	v9 =	vadd.f32 v10, v9;
	v10 =	vmul.f32 v11, v5;
	v11 =	vand.u32 $0x78, v12  }
0xac: {  	v12 =	vand.u32 $0x5, v12;
	v11 =	vadd.s32 v7, v11  }
0xad: {  	v8 =	vmul.f32 v8, v6;
	v9 =	vadd.f32 v10, v9;
	v10 =	vor.u32 v12, v11;
	_ =	sdelay $0x1  }
0xae: {  	v8 =	vadd.f32 v8, v9;
	_ =	sdelay $0x1  }
0xaf: {  	[tilespmem:s2+$0xFFFFFF20] =	vst v8  }
0xb0: {  	v8 =	vld.idx.msk [tilespmem:v10+s15+$0x0], $0xffff  }
0xb1: {  	v9 =	vld.idx.msk [tilespmem:v10+s17+$0x0], $0xffff;
	_ =	sdelay $0x1  }
0xb2: {  	v11 =	vld.idx.msk [tilespmem:v10+s19+$0x0], $0xffff;
	_ =	sdelay $0x1  }
0xb3: {  	v10 =	vld.idx.msk [tilespmem:v10+s21+$0x0], $0xffff  }
0xb4: {  	s13 =	simm.s32 $0x2;
	v8 =	vmul.f32 v8, v3;
	v9 =	vmul.f32 v9, v4  }
0xb5: {  	v12 =	vmov s13  }
0xb6: {  	v8 =	vadd.f32 v9, v8;
	v9 =	vmul.f32 v11, v5;
	v11 =	vand.u32 $0x78, v12  }
0xb7: {  	v12 =	vand.u32 $0x6, v12;
	v11 =	vadd.s32 v7, v11  }
0xb8: {  	v8 =	vadd.f32 v9, v8;
	v9 =	vmul.f32 v10, v6;
	v10 =	vor.u32 v12, v11;
	_ =	sdelay $0x1  }
0xb9: {  	v8 =	vadd.f32 v9, v8;
	_ =	sdelay $0x1  }
0xba: {  	[tilespmem:s2+$0xFFFFFF90] =	vst v8  }
0xbb: {  	v8 =	vld.idx.msk [tilespmem:v10+s15+$0x0], $0xffff  }
0xbc: {  	v9 =	vld.idx.msk [tilespmem:v10+s17+$0x0], $0xffff;
	_ =	sdelay $0x1  }
0xbd: {  	v11 =	vld.idx.msk [tilespmem:v10+s19+$0x0], $0xffff;
	_ =	sdelay $0x1  }
0xbe: {  	v10 =	vld.idx.msk [tilespmem:v10+s21+$0x0], $0xffff  }
0xbf: {  	s26 =	simm.s32 $0x3;
	v8 =	vmul.f32 v8, v3;
	v9 =	vmul.f32 v9, v4  }
0xc0: {  	v12 =	vmov s26  }
0xc1: {  	v8 =	vadd.f32 v9, v8;
	v9 =	vmul.f32 v11, v5;
	v11 =	vand.u32 $0x78, v12  }
0xc2: {  	v12 =	vand.u32 $0x7, v12;
	v11 =	vadd.s32 v7, v11  }
0xc3: {  	v8 =	vadd.f32 v9, v8;
	v9 =	vmul.f32 v10, v6;
	v11 =	vor.u32 v12, v11;
	_ =	sdelay $0x1  }
0xc4: {  	v8 =	vadd.f32 v9, v8;
	_ =	sdelay $0x1  }
0xc5: {  	[tilespmem:s2+$0x0] =	vst v8  }
0xc6: {  	v14 =	vld.idx.msk [tilespmem:v11+s15+$0x0], $0xffff;
	_ =	sdelay $0x1  }
0xc7: {  	s26 =	simm.s32 $0x4;
	v10 =	vld.idx.msk [tilespmem:v11+s17+$0x0], $0xffff  }
0xc8: {  	v12 =	vmov s26;
	v9 =	vld.idx.msk [tilespmem:v11+s19+$0x0], $0xffff  }
0xc9: {  	v13 =	vand.u32 $0x78, v12  }
0xca: {  	s5 =	smov.u32 s2;
	s28 =	smov.u32 s2;
	s3 =	simm.s32 $0x8;
	v12 =	vand.u32 $0x4, v12;
	v13 =	vadd.s32 v7, v13;
	v8 =	vld.idx.msk [tilespmem:v11+s21+$0x0], $0xffff;
	v11 =	vmul.f32 v14, v3  }
.LBB2_8:
0xcb: {  	p0 =	slt.u32 s3, $0x5C  }
0xcc: {  	v12 =	vor.u32 v12, v13;
	v10 =	vmul.f32 v10, v4;
	s5 =	sadd.s32 $0x1C0, s5;
	s12 =	smov.u32 s3;
	s3 =	sadd.s32 $0x4, s3  }
0xcd: {  	v9 =	vmul.f32 v9, v5  }
0xce: {  	v10 =	vadd.f32 v10, v11  }
0xcf: {  	v8 =	vmul.f32 v8, v6  }
0xd0: {  	v9 =	vadd.f32 v9, v10;
	_ =	sdelay $0x1  }
0xd1: {  	v8 =	vadd.f32 v8, v9;
	_ =	sdelay $0x1  }
0xd2: {  	[tilespmem:s28+$0x70] =	vst v8;
	s28 =	smov.u32 s5  }
0xd3: {  	v8 =	vld.idx.msk [tilespmem:v12+s15+$0x0], $0xffff  }
0xd4: {  	v9 =	vld.idx.msk [tilespmem:v12+s17+$0x0], $0xffff  }
0xd5: {  	v10 =	vld.idx.msk [tilespmem:v12+s19+$0x0], $0xffff;
	_ =	sdelay $0x2  }
0xd6: {  	v11 =	vld.idx.msk [tilespmem:v12+s21+$0x0], $0xffff;
	_ =	sdelay $0x1  }
0xd7: {  	s13 =	sadd.s32 $0x1, s26;
	v8 =	vmul.f32 v8, v3;
	v9 =	vmul.f32 v9, v4  }
0xd8: {  	v12 =	vmov s13  }
0xd9: {  	v8 =	vadd.f32 v9, v8;
	v9 =	vmul.f32 v10, v5;
	v10 =	vand.u32 $0x78, v12  }
0xda: {  	v12 =	vand.u32 $0x5, v12;
	v10 =	vadd.s32 v7, v10  }
0xdb: {  	v8 =	vadd.f32 v9, v8;
	v9 =	vmul.f32 v11, v6;
	v10 =	vor.u32 v12, v10;
	_ =	sdelay $0x1  }
0xdc: {  	v8 =	vadd.f32 v9, v8;
	_ =	sdelay $0x1  }
0xdd: {  	[tilespmem:s5+$0xFFFFFF20] =	vst v8  }
0xde: {  	v8 =	vld.idx.msk [tilespmem:v10+s15+$0x0], $0xffff  }
0xdf: {  	v9 =	vld.idx.msk [tilespmem:v10+s17+$0x0], $0xffff;
	_ =	sdelay $0x1  }
0xe0: {  	v11 =	vld.idx.msk [tilespmem:v10+s19+$0x0], $0xffff;
	_ =	sdelay $0x1  }
0xe1: {  	v10 =	vld.idx.msk [tilespmem:v10+s21+$0x0], $0xffff;
	_ =	sdelay $0x1  }
0xe2: {  	s13 =	sadd.s32 $0x2, s26;
	v8 =	vmul.f32 v8, v3;
	v9 =	vmul.f32 v9, v4  }
0xe3: {  	v12 =	vmov s13  }
0xe4: {  	v8 =	vadd.f32 v9, v8;
	v9 =	vmul.f32 v11, v5;
	v11 =	vand.u32 $0x78, v12  }
0xe5: {  	v12 =	vand.u32 $0x6, v12;
	v11 =	vadd.s32 v7, v11  }
0xe6: {  	v8 =	vadd.f32 v9, v8;
	v9 =	vmul.f32 v10, v6;
	v10 =	vor.u32 v12, v11;
	_ =	sdelay $0x1  }
0xe7: {  	v8 =	vadd.f32 v9, v8;
	_ =	sdelay $0x1  }
0xe8: {  	[tilespmem:s5+$0xFFFFFF90] =	vst v8  }
0xe9: {  	v8 =	vld.idx.msk [tilespmem:v10+s15+$0x0], $0xffff  }
0xea: {  	v9 =	vld.idx.msk [tilespmem:v10+s17+$0x0], $0xffff;
	_ =	sdelay $0x1  }
0xeb: {  	v11 =	vld.idx.msk [tilespmem:v10+s19+$0x0], $0xffff;
	_ =	sdelay $0x1  }
0xec: {  	v10 =	vld.idx.msk [tilespmem:v10+s21+$0x0], $0xffff;
	_ =	sdelay $0x1  }
0xed: {  	s13 =	sadd.s32 $0x3, s26;
	s26 =	smov.u32 s12;
	v8 =	vmul.f32 v8, v3;
	v9 =	vmul.f32 v9, v4  }
0xee: {  	v12 =	vmov s13  }
0xef: {  	v8 =	vadd.f32 v9, v8;
	v9 =	vmul.f32 v11, v5;
	v11 =	vand.u32 $0x78, v12  }
0xf0: {  	v12 =	vand.u32 $0x7, v12;
	v11 =	vadd.s32 v7, v11  }
0xf1: {  	v8 =	vadd.f32 v9, v8;
	v9 =	vmul.f32 v10, v6;
	v11 =	vor.u32 v12, v11;
	_ =	sdelay $0x1  }
0xf2: {  	v8 =	vadd.f32 v9, v8;
	_ =	sdelay $0x1  }
0xf3: {  	[tilespmem:s5+$0x0] =	vst v8  }
0xf4: {  	v14 =	vld.idx.msk [tilespmem:v11+s15+$0x0], $0xffff  }
0xf5: {  	v10 =	vld.idx.msk [tilespmem:v11+s17+$0x0], $0xffff  }
.Ltmp1:
0xf6: {  	v9 =	vld.idx.msk [tilespmem:v11+s19+$0x0], $0xffff;
	(pc) =	sbr.rel @p0 .LBB2_8-.Ltmp1, $4  }
0xf7: {  	v8 =	vld.idx.msk [tilespmem:v11+s21+$0x0], $0xffff  }
0xf8: {  	v11 =	vmov s26  }
0xf9: {  	v13 =	vand.u32 $0x78, v11  }
0xfa: {  	v12 =	vand.u32 $0x4, v11;
	v13 =	vadd.s32 v7, v13;
	v11 =	vmul.f32 v14, v3  }
0xfb: {  	v10 =	vmul.f32 v10, v4;
	_ =	sdelay $0x1  }
0xfc: {  	v9 =	vmul.f32 v9, v5;
	v10 =	vadd.f32 v10, v11;
	_ =	sdelay $0x1  }
0xfd: {  	v39 =	vor.u32 v12, v13;
	v8 =	vmul.f32 v8, v6;
	v9 =	vadd.f32 v9, v10;
	_ =	sdelay $0x1  }
0xfe: {  	v8 =	vadd.f32 v8, v9;
	_ =	sdelay $0x1  }
0xff: {  	[tilespmem:s28+$0x70] =	vst v8  }
0x100: {  	v8 =	vld.idx.msk [tilespmem:v39+s15+$0x0], $0xffff  }
0x101: {  	v40 =	vld.idx.msk [tilespmem:v39+s17+$0x0], $0xffff;
	_ =	sdelay $0x1  }
0x102: {  	v41 =	vld.idx.msk [tilespmem:v39+s19+$0x0], $0xffff;
	_ =	sdelay $0x1  }
0x103: {  	v11 =	vld.idx.msk [tilespmem:v39+s21+$0x0], $0xffff  }
0x104: {  	s3 =	sadd.s32 $0x1, s26;
	v8 =	vmul.f32 v8, v3;
	v9 =	vmul.f32 v40, v4  }
0x105: {  	v42 =	vmov s3  }
0x106: {  	v44 =	vand.u32 $0x78, v42;
	v43 =	vmul.f32 v41, v5;
	v8 =	vadd.f32 v9, v8  }
0x107: {  	v12 =	vand.u32 $0x5, v42;
	v10 =	vadd.s32 v7, v44  }
0x108: {  	v10 =	vor.u32 v12, v10;
	v45 =	vmul.f32 v11, v6;
	v8 =	vadd.f32 v43, v8;
	_ =	sdelay $0x1  }
0x109: {  	v8 =	vadd.f32 v45, v8  }
0x10a: {  	s12 =	sadd.s32 $0x1C0, s5  }
0x10b: {  	[tilespmem:s12+$0xFFFFFF20] =	vst v8  }
0x10c: {  	v8 =	vld.idx.msk [tilespmem:v10+s15+$0x0], $0xffff  }
0x10d: {  	v46 =	vld.idx.msk [tilespmem:v10+s17+$0x0], $0xffff;
	_ =	sdelay $0x1  }
0x10e: {  	v47 =	vld.idx.msk [tilespmem:v10+s19+$0x0], $0xffff;
	_ =	sdelay $0x1  }
0x10f: {  	v10 =	vld.idx.msk [tilespmem:v10+s21+$0x0], $0xffff  }
0x110: {  	s13 =	sadd.s32 $0x2, s26;
	v8 =	vmul.f32 v8, v3;
	v9 =	vmul.f32 v46, v4  }
0x111: {  	v48 =	vmov s13  }
0x112: {  	v50 =	vand.u32 $0x78, v48;
	v49 =	vmul.f32 v47, v5;
	v8 =	vadd.f32 v9, v8  }
0x113: {  	v12 =	vand.u32 $0x6, v48;
	v11 =	vadd.s32 v7, v50  }
0x114: {  	v52 =	vor.u32 v12, v11;
	v51 =	vmul.f32 v10, v6;
	v8 =	vadd.f32 v49, v8;
	_ =	sdelay $0x1  }
0x115: {  	v8 =	vadd.f32 v51, v8;
	_ =	sdelay $0x1  }
0x116: {  	[tilespmem:s12+$0xFFFFFF90] =	vst v8  }
0x117: {  	v8 =	vld.idx.msk [tilespmem:v52+s15+$0x0], $0xffff  }
0x118: {  	v53 =	vld.idx.msk [tilespmem:v52+s17+$0x0], $0xffff;
	_ =	sdelay $0x1  }
0x119: {  	v11 =	vld.idx.msk [tilespmem:v52+s19+$0x0], $0xffff;
	_ =	sdelay $0x1  }
0x11a: {  	v10 =	vld.idx.msk [tilespmem:v52+s21+$0x0], $0xffff  }
0x11b: {  	s28 =	sadd.s32 $0x3, s26;
	v8 =	vmul.f32 v8, v3;
	v9 =	vmul.f32 v53, v4  }
0x11c: {  	v54 =	vmov s28  }
0x11d: {  	v56 =	vand.u32 $0x78, v54;
	v55 =	vmul.f32 v11, v5;
	v8 =	vadd.f32 v9, v8  }
0x11e: {  	v57 =	vadd.s32 v7, v56;
	v12 =	vand.u32 $0x7, v54  }
0x11f: {  	v7 =	vor.u32 v12, v57;
	v58 =	vmul.f32 v10, v6;
	v8 =	vadd.f32 v55, v8;
	_ =	sdelay $0x1  }
0x120: {  	v8 =	vadd.f32 v58, v8;
	_ =	sdelay $0x1  }
0x121: {  	[tilespmem:s12+$0x0] =	vst v8  }
0x122: {  	v8 =	vld.idx.msk [tilespmem:v7+s15+$0x0], $0xffff  }
0x123: {  	v59 =	vld.idx.msk [tilespmem:v7+s17+$0x0], $0xffff;
	_ =	sdelay $0x1  }
0x124: {  	v60 =	vld.idx.msk [tilespmem:v7+s19+$0x0], $0xffff;
	_ =	sdelay $0x1  }
0x125: {  	v7 =	vld.idx.msk [tilespmem:v7+s21+$0x0], $0xffff  }
0x126: {  	v3 =	vmul.f32 v8, v3;
	v61 =	vmul.f32 v59, v4;
	_ =	sdelay $0x1  }
0x127: {  	s25 =	sadd.s32 $0x1, s25;
	v62 =	vmul.f32 v60, v5;
	v3 =	vadd.f32 v61, v3  }
0x128: {  	p0 =	sne.s32 s25, $0x7  }
.Ltmp2:
0x129: {  	v63 =	vmul.f32 v7, v6;
	v3 =	vadd.f32 v62, v3;
	(pc) =	sbr.rel @p0 .LBB2_7-.Ltmp2, $3  }
0x12a: {  	_ = 	snop  }
0x12b: {  	v3 =	vadd.f32 v63, v3;
	_ =	sdelay $0x1  }
0x12c: {  	s2 =	sadd.s32 $0x10, s2;
	[tilespmem:s12+$0x70] =	vst v3  }
0x12d: {  	s2 =	sadd.s32 s31, s4;
	s0 =	sadd.s32 $0x1, s0  }
0x12e: {  	s2 =	sshrl.u32 s2, $0x3;
	p0 =	sne.s32 s0, $0xE  }
.Ltmp3:
0x12f: {  	s2 =	sadd.s32 s7, s2;
	(pc) =	sbr.rel @p0 .LBB2_4-.Ltmp3, $4  }
0x130: {  	[hbm4b:s2+s11] =	stream.strided.scatter [tilespmem:s24], [sflag:$0x2], $0x2A00, s23, s11, $0x38;
	[tilespmem:$0xD740] =	vst v63  }
0x131: {  	_ =	swait.ge [sflag:s10], $0x2A00  }
0x132: {  	[sflag:s10] =	ssyncset.done $0x0  }
0x133: {  	[sflag:s10] =	ssyncadd.s32 $0xFFFFD600  }
0x134: {  	s2 =	rddreg [dreg:$0x9]  }
0x135: {  	s2 =	sadd.s32 $0x1, s2  }
0x136: {  	p0 =	sne.s32 s2, $0x3  }
.Ltmp4:
0x137: {  	_ = 	snop;
	(pc) =	sbr.rel @p0 .LBB2_3-.Ltmp4, $1  }
0x138: {  	_ =	sdelay $0x3  }
0x139: {  	s2 =	rddreg [dreg:$0x7]  }
0x13a: {  	s2 =	sadd.s32 $0x1, s2  }
0x13b: {  	p0 =	sne.s32 s2, $0x3  }
.Ltmp5:
0x13c: {  	_ = 	snop;
	(pc) =	sbr.rel @p0 .LBB2_2-.Ltmp5, $1  }
0x13d: {  	_ =	sdelay $0x3  }
0x13e: {  	s9 =	rddreg [dreg:$0x5]  }
0x13f: {  	s0 =	rddreg [dreg:$0x6];
	s9 =	sadd.s32 $0x1, s9  }
0x140: {  	p0 =	sne.s32 s9, s0  }
.Ltmp6:
0x141: {  	_ = 	snop;
	(pc) =	sbr.rel @p0 .LBB2_1-.Ltmp6, $1  }
0x142: {  	_ =	sdelay $0x3  }
0x143: {  	_ =	sfence.sel $0x180000  }
0x144: {  	[bflag:$0x0] =	sbarrier.arrive $0xFFFF  }
0x145: {  	_ =	strace $0x90000047  }
0x146: {  	s0 =	stileid.u32;
	[bflag:$0x2] =	sbarrier.arrive $0xFFFF  }
0x147: {  	p0 =	sne.s32 s0, $0x0;
	s0 =	rddreg [dreg:$0x4]  }
0x148: {  	s0 =	sadd.s32 @!p0 $0x100000, s0  }
0x149: {  	[sflag:s0] =	ssyncadd.tile.s32 @!p0 $0x1;
	_ =	shalt  }
.Lfunc_end2:
_tile_overlayer_lowered:
.L_overlay_start_2:
0x14a: {  	(tag) =	ssettag $0x2  }
0x14b: {  	s0 =	rddreg [dreg:$0x0];
	s2 =	stileid.u32  }
0x14c: {  	s1 =	rddreg [dreg:$0x1];
	p0 =	sne.s32 s2, $0x0  }
0x14d: {  	s3 =	rddreg [dreg:$0x2];
	[bflag:$0x3] =	sbarrier.arrive $0xFFFF;
	s2 =	simm.s32 @!p0 $0x1C02  }
0x14e: {  	[timem:s3], [sflag:s2] =	dma.local @!p0 [hbm:s0], s1  }
0x14f: {  	s0 =	simm.s32 @!p0 $0x2  }
0x150: {  	_ =	swait.ge @!p0 [sflag:s0], s1  }
0x151: {  	s1 =	ssub.s32 @!p0 $0x0, s1;
	[sflag:s0] =	ssyncset.done @!p0 $0x0  }
0x152: {  	[sflag:s0] =	ssyncadd.s32 @!p0 s1  }
0x153: {  	[bflag:$0x3] =	sbarrier.arrive $0xFFFF  }
0x154: {  	_ =	shalt  }

</sc_bundles>
